<compile_context>
chip_gen: v7x
topology: tpu7x:2x2x1
jax: 0.10.2.dev20260603
libtpu: 0.0.44.dev20260713+nightly
codegen_flags: <defaults>
</compile_context>

<pallas_src>
import functools

import jax
import jax.numpy as jnp
from jax import lax
from jax.experimental import pallas as pl
from jax.experimental.pallas import tpu as pltpu
from jax.experimental.pallas import tpu_sc as plsc

D = 64
B = 4096
H = 200
NC, NS = 2, 16
NW = NC * NS
HT = H // 8
BT = B // 128


@functools.partial(
    pl.kernel,
    mesh=plsc.VectorSubcoreMesh(core_axis_name="c", subcore_axis_name="s"),
    out_type=jax.ShapeDtypeStruct((H, BT, 128, D), jnp.float32),
    scratch_types=[
        pltpu.VMEM((HT, 8, 128), jnp.int32),
        pltpu.VMEM((128, D), jnp.float32),
        pltpu.VMEM((128, D), jnp.float32),
        pltpu.SemaphoreType.DMA,
        pltpu.SemaphoreType.DMA,
        pltpu.SemaphoreType.DMA,
        pltpu.SemaphoreType.DMA,
    ],
    compiler_params=pltpu.CompilerParams(
        needs_layout_passes=False, use_tc_tiling_on_sc=False),
)
def _sc_gather(x4_hbm, table_hbm, out_hbm,
               idxs, rows_a, rows_b, gsem_a, gsem_b, wsem_a, wsem_b):
    w = lax.axis_index("s") * NC + lax.axis_index("c")

    for ht in range(HT):
        pltpu.sync_copy(x4_hbm.at[ht, w], idxs.at[ht])

    bufs = ((rows_a, gsem_a, wsem_a), (rows_b, gsem_b, wsem_b))

    def fire_gather(t, par):
        rows, gsem, _ = bufs[par]
        pltpu.async_copy(table_hbm.at[idxs.at[lax.div(t, 8), lax.rem(t, 8)]],
                         rows, gsem)

    def wait_gather(t, par):
        rows, gsem, _ = bufs[par]
        pltpu.make_async_copy(table_hbm.at[idxs.at[lax.div(t, 8), lax.rem(t, 8)]],
                              rows, gsem).wait()

    def fire_writeout(t, par):
        rows, _, wsem = bufs[par]
        pltpu.async_copy(rows, out_hbm.at[t, w], wsem)

    def wait_writeout(t, par):
        rows, _, wsem = bufs[par]
        pltpu.make_async_copy(rows, out_hbm.at[t, w], wsem).wait()

    fire_gather(0, 0)

    def pair_body(i, carry):
        for par in range(2):
            t = i * 2 + par

            wait_gather(t, par)

            @pl.when(t >= 1)
            def _():
                wait_writeout(t - 1, 1 - par)

            @pl.when(t + 1 < H)
            def _():
                fire_gather(t + 1, 1 - par)

            fire_writeout(t, par)
        return carry

    lax.fori_loop(0, H // 2, pair_body, 0)
    wait_writeout(H - 1, 1)


def _tc_ln_kernel(x_ref, g_ref, b_ref, o_ref):
    x = x_ref[0]
    s = jnp.sum(x, axis=-1, keepdims=True)
    ss = jnp.sum(x * x, axis=-1, keepdims=True)
    mean = s * (1.0 / D)
    var = ss * (1.0 / D) - mean * mean
    rstd = lax.rsqrt(var + 1e-5)
    g = g_ref[0].reshape(1, 1, D)
    b = b_ref[0].reshape(1, 1, D)
    y = (x - mean) * rstd * g + b
    yt = y.transpose(0, 2, 1)
    o_ref[0] = yt.reshape(BT, 8, 8, 128).transpose(1, 0, 2, 3)


def _tc_ln(scr, gamma, beta):
    return pl.pallas_call(
        _tc_ln_kernel,
        grid=(H,),
        in_specs=[
            pl.BlockSpec((1, BT, 128, D), lambda h: (h, 0, 0, 0)),
            pl.BlockSpec((1, D), lambda h: (0, 0)),
            pl.BlockSpec((1, D), lambda h: (0, 0)),
        ],
        out_specs=pl.BlockSpec((1, 8, BT, 8, 128), lambda h: (h, 0, 0, 0, 0)),
        out_shape=jax.ShapeDtypeStruct((H, 8, BT, 8, 128), jnp.float32),
    )(scr, gamma, beta)


def kernel(x, table, gamma, beta):
    x4 = x.astype(jnp.int32).T.reshape(HT, 8, BT, 128).transpose(0, 2, 1, 3)
    scr = _sc_gather(x4, table)
    out5 = _tc_ln(scr, gamma.reshape(1, D), beta.reshape(1, D))
    return out5.transpose(2, 4, 0, 1, 3).reshape(B, H, D)

# --- scband reference (transcript-rebuilt; emitter-appended) ---
"""Pipeline reference for scband-category-value-encoder-17145509445707 (READ-ONLY COPY).

The authoritative reference and input builder live on the scoring server;
editing this copy changes nothing except your own understanding.
"""

import jax, jax.numpy as jnp
import numpy as np

NUM_EMBEDDINGS = 1000000
EMBED_DIM = 64
BATCH = 4096
HIST = 200


def setup_inputs(seed: int = 0) -> dict:
    key = jax.random.key(seed)
    k_idx, k_tab = jax.random.split(key)
    x = jax.random.randint(k_idx, (BATCH, HIST), 0, NUM_EMBEDDINGS, dtype=jnp.int64 if jax.config.jax_enable_x64 else jnp.int32)
    table = jax.random.normal(k_tab, (NUM_EMBEDDINGS, EMBED_DIM), dtype=jnp.float32)
    gamma = jnp.ones((EMBED_DIM,), dtype=jnp.float32)
    beta = jnp.zeros((EMBED_DIM,), dtype=jnp.float32)
    return {"x": x, "table": table, "gamma": gamma, "beta": beta}


def reference(x, table, gamma, beta):
    # embedding lookup (gather)
    emb = jnp.take(table, x, axis=0)  # [B, L, D]
    # layer norm over last dim, eps matches torch default 1e-5
    mean = jnp.mean(emb, axis=-1, keepdims=True)
    var = jnp.mean(jnp.square(emb - mean), axis=-1, keepdims=True)
    normed = (emb - mean) / jnp.sqrt(var + 1e-5)
    out = normed * gamma + beta
    return out

if __name__ == "__main__":
    import jax
    _d = setup_inputs()
    print(jax.jit(kernel)(*tuple(_d.values())))

</pallas_src>

<mosaic_0001>
#map = affine_map<(d0, d1) -> (0, 0, 0, 0)>
#map1 = affine_map<(d0, d1) -> (0, 0)>
module attributes {stable_mosaic.version = 14 : i64} {
  func.func @_sc_gather(%arg0: i32, %arg1: i32, %arg2: memref<25x32x8x128xi32, #tpu.memory_space<hbm>>, %arg3: memref<1000000x64xf32, #tpu.memory_space<hbm>>, %arg4: memref<200x32x128x64xf32, #tpu.memory_space<hbm>>, %arg5: memref<25x8x128xi32, #tpu.memory_space<vmem>>, %arg6: memref<128x64xf32, #tpu.memory_space<vmem>>, %arg7: memref<128x64xf32, #tpu.memory_space<vmem>>, %arg8: memref<!tpu.dma_semaphore, #tpu.memory_space<semaphore_mem>>, %arg9: memref<!tpu.dma_semaphore, #tpu.memory_space<semaphore_mem>>, %arg10: memref<!tpu.dma_semaphore, #tpu.memory_space<semaphore_mem>>, %arg11: memref<!tpu.dma_semaphore, #tpu.memory_space<semaphore_mem>>) attributes {dimension_semantics = [#tpu.dimension_semantics<core_parallel>, #tpu.dimension_semantics<subcore_parallel>], iteration_bounds = array<i64: 2, 16>, scalar_prefetch = 0 : i64, scratch_operands = 7 : i64, tpu.core_type = #tpu.core_type<sc_vector_subcore>, window_params = [{transform_indices = #map}, {transform_indices = #map1}, {transform_indices = #map}]} {
    %mul3A = arith.constant 2 : i32
    %mul3A_0 = arith.muli %arg1, %mul3A : i32
    %add3A = arith.addi %mul3A_0, %arg0 : i32
    %run_scoped3A = arith.constant 0 : i32
    %run_scoped3A_1 = arith.constant 0 : i32
    "tpu.region"() ({
      %run_scoped3A_72 = tpu.sem_alloc : memref<!tpu.dma_semaphore, #tpu.memory_space<semaphore_mem>>
      %dma_start3A_73 = arith.constant 0 : i32
      %dma_start3A_74 = arith.constant 0 : i32
      %dma_start3A_75 = tpu.memref_slice %arg5[%run_scoped3A_1, %dma_start3A_73, %dma_start3A_74] : memref<25x8x128xi32, #tpu.memory_space<vmem>> -> memref<1x8x128xi32, #tpu.memory_space<vmem>>
      %dma_start3A_76 = tpu.memref_squeeze %dma_start3A_75 : memref<1x8x128xi32, #tpu.memory_space<vmem>> -> memref<8x128xi32, #tpu.memory_space<vmem>>
      %dma_start3A_77 = arith.constant 0 : i32
      %dma_start3A_78 = arith.constant 0 : i32
      %dma_start3A_79 = tpu.memref_slice %arg2[%run_scoped3A, %add3A, %dma_start3A_77, %dma_start3A_78] : memref<25x32x8x128xi32, #tpu.memory_space<hbm>> -> memref<1x1x8x128xi32, #tpu.memory_space<hbm>>
      %dma_start3A_80 = tpu.memref_squeeze %dma_start3A_79 : memref<1x1x8x128xi32, #tpu.memory_space<hbm>> -> memref<8x128xi32, #tpu.memory_space<hbm>>
      %dma_start3A_81 = arith.constant 0 : i32
      %dma_start3A_82 = arith.constant 0 : i32
      %dma_start3A_83 = tpu.memref_slice %arg5[%run_scoped3A_1, %dma_start3A_81, %dma_start3A_82] : memref<25x8x128xi32, #tpu.memory_space<vmem>> -> memref<1x8x128xi32, #tpu.memory_space<vmem>>
      %dma_start3A_84 = tpu.memref_squeeze %dma_start3A_83 : memref<1x8x128xi32, #tpu.memory_space<vmem>> -> memref<8x128xi32, #tpu.memory_space<vmem>>
      %dma_start3A_85 = arith.constant 0 : i32
      %dma_start3A_86 = arith.constant 0 : i32
      %dma_start3A_87 = tpu.memref_slice %arg2[%run_scoped3A, %add3A, %dma_start3A_85, %dma_start3A_86] : memref<25x32x8x128xi32, #tpu.memory_space<hbm>> -> memref<1x1x8x128xi32, #tpu.memory_space<hbm>>
      %dma_start3A_88 = tpu.memref_squeeze %dma_start3A_87 : memref<1x1x8x128xi32, #tpu.memory_space<hbm>> -> memref<8x128xi32, #tpu.memory_space<hbm>>
      tpu.enqueue_dma source(%dma_start3A_88 : memref<8x128xi32, #tpu.memory_space<hbm>>) target(%dma_start3A_84 : memref<8x128xi32, #tpu.memory_space<vmem>>) target_semaphore(%run_scoped3A_72 : memref<!tpu.dma_semaphore, #tpu.memory_space<semaphore_mem>>)
      %dma_wait3A_89 = arith.constant 0 : i32
      %dma_wait3A_90 = arith.constant 0 : i32
      %dma_wait3A_91 = tpu.memref_slice %arg5[%run_scoped3A_1, %dma_wait3A_89, %dma_wait3A_90] : memref<25x8x128xi32, #tpu.memory_space<vmem>> -> memref<1x8x128xi32, #tpu.memory_space<vmem>>
      %dma_wait3A_92 = tpu.memref_squeeze %dma_wait3A_91 : memref<1x8x128xi32, #tpu.memory_space<vmem>> -> memref<8x128xi32, #tpu.memory_space<vmem>>
      %dma_wait3A_93 = arith.constant 0 : i32
      %dma_wait3A_94 = arith.constant 0 : i32
      %dma_wait3A_95 = tpu.memref_slice %arg2[%run_scoped3A, %add3A, %dma_wait3A_93, %dma_wait3A_94] : memref<25x32x8x128xi32, #tpu.memory_space<hbm>> -> memref<1x1x8x128xi32, #tpu.memory_space<hbm>>
      %dma_wait3A_96 = tpu.memref_squeeze %dma_wait3A_95 : memref<1x1x8x128xi32, #tpu.memory_space<hbm>> -> memref<8x128xi32, #tpu.memory_space<hbm>>
      %dma_wait3A_97 = arith.constant 0 : i32
      %dma_wait3A_98 = arith.constant 0 : i32
      %dma_wait3A_99 = tpu.memref_slice %arg5[%run_scoped3A_1, %dma_wait3A_97, %dma_wait3A_98] : memref<25x8x128xi32, #tpu.memory_space<vmem>> -> memref<1x8x128xi32, #tpu.memory_space<vmem>>
      %dma_wait3A_100 = tpu.memref_squeeze %dma_wait3A_99 : memref<1x8x128xi32, #tpu.memory_space<vmem>> -> memref<8x128xi32, #tpu.memory_space<vmem>>
      %dma_wait3A_101 = arith.constant 0 : i32
      %dma_wait3A_102 = arith.constant 0 : i32
      %dma_wait3A_103 = tpu.memref_slice %arg2[%run_scoped3A, %add3A, %dma_wait3A_101, %dma_wait3A_102] : memref<25x32x8x128xi32, #tpu.memory_space<hbm>> -> memref<1x1x8x128xi32, #tpu.memory_space<hbm>>
      %dma_wait3A_104 = tpu.memref_squeeze %dma_wait3A_103 : memref<1x1x8x128xi32, #tpu.memory_space<hbm>> -> memref<8x128xi32, #tpu.memory_space<hbm>>
      tpu.wait_dma2 semaphore(%run_scoped3A_72 : memref<!tpu.dma_semaphore, #tpu.memory_space<semaphore_mem>>) src(%dma_wait3A_104 : memref<8x128xi32, #tpu.memory_space<hbm>>) dst(%dma_wait3A_100 : memref<8x128xi32, #tpu.memory_space<vmem>>)
      tpu.yield
    }) : () -> ()
    %run_scoped3A_2 = arith.constant 1 : i32
    %run_scoped3A_3 = arith.constant 1 : i32
    "tpu.region"() ({
      %run_scoped3A_72 = tpu.sem_alloc : memref<!tpu.dma_semaphore, #tpu.memory_space<semaphore_mem>>
      %dma_start3A_73 = arith.constant 0 : i32
      %dma_start3A_74 = arith.constant 0 : i32
      %dma_start3A_75 = tpu.memref_slice %arg5[%run_scoped3A_3, %dma_start3A_73, %dma_start3A_74] : memref<25x8x128xi32, #tpu.memory_space<vmem>> -> memref<1x8x128xi32, #tpu.memory_space<vmem>>
      %dma_start3A_76 = tpu.memref_squeeze %dma_start3A_75 : memref<1x8x128xi32, #tpu.memory_space<vmem>> -> memref<8x128xi32, #tpu.memory_space<vmem>>
      %dma_start3A_77 = arith.constant 0 : i32
      %dma_start3A_78 = arith.constant 0 : i32
      %dma_start3A_79 = tpu.memref_slice %arg2[%run_scoped3A_2, %add3A, %dma_start3A_77, %dma_start3A_78] : memref<25x32x8x128xi32, #tpu.memory_space<hbm>> -> memref<1x1x8x128xi32, #tpu.memory_space<hbm>>
      %dma_start3A_80 = tpu.memref_squeeze %dma_start3A_79 : memref<1x1x8x128xi32, #tpu.memory_space<hbm>> -> memref<8x128xi32, #tpu.memory_space<hbm>>
      %dma_start3A_81 = arith.constant 0 : i32
      %dma_start3A_82 = arith.constant 0 : i32
      %dma_start3A_83 = tpu.memref_slice %arg5[%run_scoped3A_3, %dma_start3A_81, %dma_start3A_82] : memref<25x8x128xi32, #tpu.memory_space<vmem>> -> memref<1x8x128xi32, #tpu.memory_space<vmem>>
      %dma_start3A_84 = tpu.memref_squeeze %dma_start3A_83 : memref<1x8x128xi32, #tpu.memory_space<vmem>> -> memref<8x128xi32, #tpu.memory_space<vmem>>
      %dma_start3A_85 = arith.constant 0 : i32
      %dma_start3A_86 = arith.constant 0 : i32
      %dma_start3A_87 = tpu.memref_slice %arg2[%run_scoped3A_2, %add3A, %dma_start3A_85, %dma_start3A_86] : memref<25x32x8x128xi32, #tpu.memory_space<hbm>> -> memref<1x1x8x128xi32, #tpu.memory_space<hbm>>
      %dma_start3A_88 = tpu.memref_squeeze %dma_start3A_87 : memref<1x1x8x128xi32, #tpu.memory_space<hbm>> -> memref<8x128xi32, #tpu.memory_space<hbm>>
      tpu.enqueue_dma source(%dma_start3A_88 : memref<8x128xi32, #tpu.memory_space<hbm>>) target(%dma_start3A_84 : memref<8x128xi32, #tpu.memory_space<vmem>>) target_semaphore(%run_scoped3A_72 : memref<!tpu.dma_semaphore, #tpu.memory_space<semaphore_mem>>)
      %dma_wait3A_89 = arith.constant 0 : i32
      %dma_wait3A_90 = arith.constant 0 : i32
      %dma_wait3A_91 = tpu.memref_slice %arg5[%run_scoped3A_3, %dma_wait3A_89, %dma_wait3A_90] : memref<25x8x128xi32, #tpu.memory_space<vmem>> -> memref<1x8x128xi32, #tpu.memory_space<vmem>>
      %dma_wait3A_92 = tpu.memref_squeeze %dma_wait3A_91 : memref<1x8x128xi32, #tpu.memory_space<vmem>> -> memref<8x128xi32, #tpu.memory_space<vmem>>
      %dma_wait3A_93 = arith.constant 0 : i32
      %dma_wait3A_94 = arith.constant 0 : i32
      %dma_wait3A_95 = tpu.memref_slice %arg2[%run_scoped3A_2, %add3A, %dma_wait3A_93, %dma_wait3A_94] : memref<25x32x8x128xi32, #tpu.memory_space<hbm>> -> memref<1x1x8x128xi32, #tpu.memory_space<hbm>>
      %dma_wait3A_96 = tpu.memref_squeeze %dma_wait3A_95 : memref<1x1x8x128xi32, #tpu.memory_space<hbm>> -> memref<8x128xi32, #tpu.memory_space<hbm>>
      %dma_wait3A_97 = arith.constant 0 : i32
      %dma_wait3A_98 = arith.constant 0 : i32
      %dma_wait3A_99 = tpu.memref_slice %arg5[%run_scoped3A_3, %dma_wait3A_97, %dma_wait3A_98] : memref<25x8x128xi32, #tpu.memory_space<vmem>> -> memref<1x8x128xi32, #tpu.memory_space<vmem>>
      %dma_wait3A_100 = tpu.memref_squeeze %dma_wait3A_99 : memref<1x8x128xi32, #tpu.memory_space<vmem>> -> memref<8x128xi32, #tpu.memory_space<vmem>>
      %dma_wait3A_101 = arith.constant 0 : i32
      %dma_wait3A_102 = arith.constant 0 : i32
      %dma_wait3A_103 = tpu.memref_slice %arg2[%run_scoped3A_2, %add3A, %dma_wait3A_101, %dma_wait3A_102] : memref<25x32x8x128xi32, #tpu.memory_space<hbm>> -> memref<1x1x8x128xi32, #tpu.memory_space<hbm>>
      %dma_wait3A_104 = tpu.memref_squeeze %dma_wait3A_103 : memref<1x1x8x128xi32, #tpu.memory_space<hbm>> -> memref<8x128xi32, #tpu.memory_space<hbm>>
      tpu.wait_dma2 semaphore(%run_scoped3A_72 : memref<!tpu.dma_semaphore, #tpu.memory_space<semaphore_mem>>) src(%dma_wait3A_104 : memref<8x128xi32, #tpu.memory_space<hbm>>) dst(%dma_wait3A_100 : memref<8x128xi32, #tpu.memory_space<vmem>>)
      tpu.yield
    }) : () -> ()
    %run_scoped3A_4 = arith.constant 2 : i32
    %run_scoped3A_5 = arith.constant 2 : i32
    "tpu.region"() ({
      %run_scoped3A_72 = tpu.sem_alloc : memref<!tpu.dma_semaphore, #tpu.memory_space<semaphore_mem>>
      %dma_start3A_73 = arith.constant 0 : i32
      %dma_start3A_74 = arith.constant 0 : i32
      %dma_start3A_75 = tpu.memref_slice %arg5[%run_scoped3A_5, %dma_start3A_73, %dma_start3A_74] : memref<25x8x128xi32, #tpu.memory_space<vmem>> -> memref<1x8x128xi32, #tpu.memory_space<vmem>>
      %dma_start3A_76 = tpu.memref_squeeze %dma_start3A_75 : memref<1x8x128xi32, #tpu.memory_space<vmem>> -> memref<8x128xi32, #tpu.memory_space<vmem>>
      %dma_start3A_77 = arith.constant 0 : i32
      %dma_start3A_78 = arith.constant 0 : i32
      %dma_start3A_79 = tpu.memref_slice %arg2[%run_scoped3A_4, %add3A, %dma_start3A_77, %dma_start3A_78] : memref<25x32x8x128xi32, #tpu.memory_space<hbm>> -> memref<1x1x8x128xi32, #tpu.memory_space<hbm>>
      %dma_start3A_80 = tpu.memref_squeeze %dma_start3A_79 : memref<1x1x8x128xi32, #tpu.memory_space<hbm>> -> memref<8x128xi32, #tpu.memory_space<hbm>>
      %dma_start3A_81 = arith.constant 0 : i32
      %dma_start3A_82 = arith.constant 0 : i32
      %dma_start3A_83 = tpu.memref_slice %arg5[%run_scoped3A_5, %dma_start3A_81, %dma_start3A_82] : memref<25x8x128xi32, #tpu.memory_space<vmem>> -> memref<1x8x128xi32, #tpu.memory_space<vmem>>
      %dma_start3A_84 = tpu.memref_squeeze %dma_start3A_83 : memref<1x8x128xi32, #tpu.memory_space<vmem>> -> memref<8x128xi32, #tpu.memory_space<vmem>>
      %dma_start3A_85 = arith.constant 0 : i32
      %dma_start3A_86 = arith.constant 0 : i32
      %dma_start3A_87 = tpu.memref_slice %arg2[%run_scoped3A_4, %add3A, %dma_start3A_85, %dma_start3A_86] : memref<25x32x8x128xi32, #tpu.memory_space<hbm>> -> memref<1x1x8x128xi32, #tpu.memory_space<hbm>>
      %dma_start3A_88 = tpu.memref_squeeze %dma_start3A_87 : memref<1x1x8x128xi32, #tpu.memory_space<hbm>> -> memref<8x128xi32, #tpu.memory_space<hbm>>
      tpu.enqueue_dma source(%dma_start3A_88 : memref<8x128xi32, #tpu.memory_space<hbm>>) target(%dma_start3A_84 : memref<8x128xi32, #tpu.memory_space<vmem>>) target_semaphore(%run_scoped3A_72 : memref<!tpu.dma_semaphore, #tpu.memory_space<semaphore_mem>>)
      %dma_wait3A_89 = arith.constant 0 : i32
      %dma_wait3A_90 = arith.constant 0 : i32
      %dma_wait3A_91 = tpu.memref_slice %arg5[%run_scoped3A_5, %dma_wait3A_89, %dma_wait3A_90] : memref<25x8x128xi32, #tpu.memory_space<vmem>> -> memref<1x8x128xi32, #tpu.memory_space<vmem>>
      %dma_wait3A_92 = tpu.memref_squeeze %dma_wait3A_91 : memref<1x8x128xi32, #tpu.memory_space<vmem>> -> memref<8x128xi32, #tpu.memory_space<vmem>>
      %dma_wait3A_93 = arith.constant 0 : i32
      %dma_wait3A_94 = arith.constant 0 : i32
      %dma_wait3A_95 = tpu.memref_slice %arg2[%run_scoped3A_4, %add3A, %dma_wait3A_93, %dma_wait3A_94] : memref<25x32x8x128xi32, #tpu.memory_space<hbm>> -> memref<1x1x8x128xi32, #tpu.memory_space<hbm>>
      %dma_wait3A_96 = tpu.memref_squeeze %dma_wait3A_95 : memref<1x1x8x128xi32, #tpu.memory_space<hbm>> -> memref<8x128xi32, #tpu.memory_space<hbm>>
      %dma_wait3A_97 = arith.constant 0 : i32
      %dma_wait3A_98 = arith.constant 0 : i32
      %dma_wait3A_99 = tpu.memref_slice %arg5[%run_scoped3A_5, %dma_wait3A_97, %dma_wait3A_98] : memref<25x8x128xi32, #tpu.memory_space<vmem>> -> memref<1x8x128xi32, #tpu.memory_space<vmem>>
      %dma_wait3A_100 = tpu.memref_squeeze %dma_wait3A_99 : memref<1x8x128xi32, #tpu.memory_space<vmem>> -> memref<8x128xi32, #tpu.memory_space<vmem>>
      %dma_wait3A_101 = arith.constant 0 : i32
      %dma_wait3A_102 = arith.constant 0 : i32
      %dma_wait3A_103 = tpu.memref_slice %arg2[%run_scoped3A_4, %add3A, %dma_wait3A_101, %dma_wait3A_102] : memref<25x32x8x128xi32, #tpu.memory_space<hbm>> -> memref<1x1x8x128xi32, #tpu.memory_space<hbm>>
      %dma_wait3A_104 = tpu.memref_squeeze %dma_wait3A_103 : memref<1x1x8x128xi32, #tpu.memory_space<hbm>> -> memref<8x128xi32, #tpu.memory_space<hbm>>
      tpu.wait_dma2 semaphore(%run_scoped3A_72 : memref<!tpu.dma_semaphore, #tpu.memory_space<semaphore_mem>>) src(%dma_wait3A_104 : memref<8x128xi32, #tpu.memory_space<hbm>>) dst(%dma_wait3A_100 : memref<8x128xi32, #tpu.memory_space<vmem>>)
      tpu.yield
    }) : () -> ()
    %run_scoped3A_6 = arith.constant 3 : i32
    %run_scoped3A_7 = arith.constant 3 : i32
    "tpu.region"() ({
      %run_scoped3A_72 = tpu.sem_alloc : memref<!tpu.dma_semaphore, #tpu.memory_space<semaphore_mem>>
      %dma_start3A_73 = arith.constant 0 : i32
      %dma_start3A_74 = arith.constant 0 : i32
      %dma_start3A_75 = tpu.memref_slice %arg5[%run_scoped3A_7, %dma_start3A_73, %dma_start3A_74] : memref<25x8x128xi32, #tpu.memory_space<vmem>> -> memref<1x8x128xi32, #tpu.memory_space<vmem>>
      %dma_start3A_76 = tpu.memref_squeeze %dma_start3A_75 : memref<1x8x128xi32, #tpu.memory_space<vmem>> -> memref<8x128xi32, #tpu.memory_space<vmem>>
      %dma_start3A_77 = arith.constant 0 : i32
      %dma_start3A_78 = arith.constant 0 : i32
      %dma_start3A_79 = tpu.memref_slice %arg2[%run_scoped3A_6, %add3A, %dma_start3A_77, %dma_start3A_78] : memref<25x32x8x128xi32, #tpu.memory_space<hbm>> -> memref<1x1x8x128xi32, #tpu.memory_space<hbm>>
      %dma_start3A_80 = tpu.memref_squeeze %dma_start3A_79 : memref<1x1x8x128xi32, #tpu.memory_space<hbm>> -> memref<8x128xi32, #tpu.memory_space<hbm>>
      %dma_start3A_81 = arith.constant 0 : i32
      %dma_start3A_82 = arith.constant 0 : i32
      %dma_start3A_83 = tpu.memref_slice %arg5[%run_scoped3A_7, %dma_start3A_81, %dma_start3A_82] : memref<25x8x128xi32, #tpu.memory_space<vmem>> -> memref<1x8x128xi32, #tpu.memory_space<vmem>>
      %dma_start3A_84 = tpu.memref_squeeze %dma_start3A_83 : memref<1x8x128xi32, #tpu.memory_space<vmem>> -> memref<8x128xi32, #tpu.memory_space<vmem>>
      %dma_start3A_85 = arith.constant 0 : i32
      %dma_start3A_86 = arith.constant 0 : i32
      %dma_start3A_87 = tpu.memref_slice %arg2[%run_scoped3A_6, %add3A, %dma_start3A_85, %dma_start3A_86] : memref<25x32x8x128xi32, #tpu.memory_space<hbm>> -> memref<1x1x8x128xi32, #tpu.memory_space<hbm>>
      %dma_start3A_88 = tpu.memref_squeeze %dma_start3A_87 : memref<1x1x8x128xi32, #tpu.memory_space<hbm>> -> memref<8x128xi32, #tpu.memory_space<hbm>>
      tpu.enqueue_dma source(%dma_start3A_88 : memref<8x128xi32, #tpu.memory_space<hbm>>) target(%dma_start3A_84 : memref<8x128xi32, #tpu.memory_space<vmem>>) target_semaphore(%run_scoped3A_72 : memref<!tpu.dma_semaphore, #tpu.memory_space<semaphore_mem>>)
      %dma_wait3A_89 = arith.constant 0 : i32
      %dma_wait3A_90 = arith.constant 0 : i32
      %dma_wait3A_91 = tpu.memref_slice %arg5[%run_scoped3A_7, %dma_wait3A_89, %dma_wait3A_90] : memref<25x8x128xi32, #tpu.memory_space<vmem>> -> memref<1x8x128xi32, #tpu.memory_space<vmem>>
      %dma_wait3A_92 = tpu.memref_squeeze %dma_wait3A_91 : memref<1x8x128xi32, #tpu.memory_space<vmem>> -> memref<8x128xi32, #tpu.memory_space<vmem>>
      %dma_wait3A_93 = arith.constant 0 : i32
      %dma_wait3A_94 = arith.constant 0 : i32
      %dma_wait3A_95 = tpu.memref_slice %arg2[%run_scoped3A_6, %add3A, %dma_wait3A_93, %dma_wait3A_94] : memref<25x32x8x128xi32, #tpu.memory_space<hbm>> -> memref<1x1x8x128xi32, #tpu.memory_space<hbm>>
      %dma_wait3A_96 = tpu.memref_squeeze %dma_wait3A_95 : memref<1x1x8x128xi32, #tpu.memory_space<hbm>> -> memref<8x128xi32, #tpu.memory_space<hbm>>
      %dma_wait3A_97 = arith.constant 0 : i32
      %dma_wait3A_98 = arith.constant 0 : i32
      %dma_wait3A_99 = tpu.memref_slice %arg5[%run_scoped3A_7, %dma_wait3A_97, %dma_wait3A_98] : memref<25x8x128xi32, #tpu.memory_space<vmem>> -> memref<1x8x128xi32, #tpu.memory_space<vmem>>
      %dma_wait3A_100 = tpu.memref_squeeze %dma_wait3A_99 : memref<1x8x128xi32, #tpu.memory_space<vmem>> -> memref<8x128xi32, #tpu.memory_space<vmem>>
      %dma_wait3A_101 = arith.constant 0 : i32
      %dma_wait3A_102 = arith.constant 0 : i32
      %dma_wait3A_103 = tpu.memref_slice %arg2[%run_scoped3A_6, %add3A, %dma_wait3A_101, %dma_wait3A_102] : memref<25x32x8x128xi32, #tpu.memory_space<hbm>> -> memref<1x1x8x128xi32, #tpu.memory_space<hbm>>
      %dma_wait3A_104 = tpu.memref_squeeze %dma_wait3A_103 : memref<1x1x8x128xi32, #tpu.memory_space<hbm>> -> memref<8x128xi32, #tpu.memory_space<hbm>>
      tpu.wait_dma2 semaphore(%run_scoped3A_72 : memref<!tpu.dma_semaphore, #tpu.memory_space<semaphore_mem>>) src(%dma_wait3A_104 : memref<8x128xi32, #tpu.memory_space<hbm>>) dst(%dma_wait3A_100 : memref<8x128xi32, #tpu.memory_space<vmem>>)
      tpu.yield
    }) : () -> ()
    %run_scoped3A_8 = arith.constant 4 : i32
    %run_scoped3A_9 = arith.constant 4 : i32
    "tpu.region"() ({
      %run_scoped3A_72 = tpu.sem_alloc : memref<!tpu.dma_semaphore, #tpu.memory_space<semaphore_mem>>
      %dma_start3A_73 = arith.constant 0 : i32
      %dma_start3A_74 = arith.constant 0 : i32
      %dma_start3A_75 = tpu.memref_slice %arg5[%run_scoped3A_9, %dma_start3A_73, %dma_start3A_74] : memref<25x8x128xi32, #tpu.memory_space<vmem>> -> memref<1x8x128xi32, #tpu.memory_space<vmem>>
      %dma_start3A_76 = tpu.memref_squeeze %dma_start3A_75 : memref<1x8x128xi32, #tpu.memory_space<vmem>> -> memref<8x128xi32, #tpu.memory_space<vmem>>
      %dma_start3A_77 = arith.constant 0 : i32
      %dma_start3A_78 = arith.constant 0 : i32
      %dma_start3A_79 = tpu.memref_slice %arg2[%run_scoped3A_8, %add3A, %dma_start3A_77, %dma_start3A_78] : memref<25x32x8x128xi32, #tpu.memory_space<hbm>> -> memref<1x1x8x128xi32, #tpu.memory_space<hbm>>
      %dma_start3A_80 = tpu.memref_squeeze %dma_start3A_79 : memref<1x1x8x128xi32, #tpu.memory_space<hbm>> -> memref<8x128xi32, #tpu.memory_space<hbm>>
      %dma_start3A_81 = arith.constant 0 : i32
      %dma_start3A_82 = arith.constant 0 : i32
      %dma_start3A_83 = tpu.memref_slice %arg5[%run_scoped3A_9, %dma_start3A_81, %dma_start3A_82] : memref<25x8x128xi32, #tpu.memory_space<vmem>> -> memref<1x8x128xi32, #tpu.memory_space<vmem>>
      %dma_start3A_84 = tpu.memref_squeeze %dma_start3A_83 : memref<1x8x128xi32, #tpu.memory_space<vmem>> -> memref<8x128xi32, #tpu.memory_space<vmem>>
      %dma_start3A_85 = arith.constant 0 : i32
      %dma_start3A_86 = arith.constant 0 : i32
      %dma_start3A_87 = tpu.memref_slice %arg2[%run_scoped3A_8, %add3A, %dma_start3A_85, %dma_start3A_86] : memref<25x32x8x128xi32, #tpu.memory_space<hbm>> -> memref<1x1x8x128xi32, #tpu.memory_space<hbm>>
      %dma_start3A_88 = tpu.memref_squeeze %dma_start3A_87 : memref<1x1x8x128xi32, #tpu.memory_space<hbm>> -> memref<8x128xi32, #tpu.memory_space<hbm>>
      tpu.enqueue_dma source(%dma_start3A_88 : memref<8x128xi32, #tpu.memory_space<hbm>>) target(%dma_start3A_84 : memref<8x128xi32, #tpu.memory_space<vmem>>) target_semaphore(%run_scoped3A_72 : memref<!tpu.dma_semaphore, #tpu.memory_space<semaphore_mem>>)
      %dma_wait3A_89 = arith.constant 0 : i32
      %dma_wait3A_90 = arith.constant 0 : i32
      %dma_wait3A_91 = tpu.memref_slice %arg5[%run_scoped3A_9, %dma_wait3A_89, %dma_wait3A_90] : memref<25x8x128xi32, #tpu.memory_space<vmem>> -> memref<1x8x128xi32, #tpu.memory_space<vmem>>
      %dma_wait3A_92 = tpu.memref_squeeze %dma_wait3A_91 : memref<1x8x128xi32, #tpu.memory_space<vmem>> -> memref<8x128xi32, #tpu.memory_space<vmem>>
      %dma_wait3A_93 = arith.constant 0 : i32
      %dma_wait3A_94 = arith.constant 0 : i32
      %dma_wait3A_95 = tpu.memref_slice %arg2[%run_scoped3A_8, %add3A, %dma_wait3A_93, %dma_wait3A_94] : memref<25x32x8x128xi32, #tpu.memory_space<hbm>> -> memref<1x1x8x128xi32, #tpu.memory_space<hbm>>
      %dma_wait3A_96 = tpu.memref_squeeze %dma_wait3A_95 : memref<1x1x8x128xi32, #tpu.memory_space<hbm>> -> memref<8x128xi32, #tpu.memory_space<hbm>>
      %dma_wait3A_97 = arith.constant 0 : i32
      %dma_wait3A_98 = arith.constant 0 : i32
      %dma_wait3A_99 = tpu.memref_slice %arg5[%run_scoped3A_9, %dma_wait3A_97, %dma_wait3A_98] : memref<25x8x128xi32, #tpu.memory_space<vmem>> -> memref<1x8x128xi32, #tpu.memory_space<vmem>>
      %dma_wait3A_100 = tpu.memref_squeeze %dma_wait3A_99 : memref<1x8x128xi32, #tpu.memory_space<vmem>> -> memref<8x128xi32, #tpu.memory_space<vmem>>
      %dma_wait3A_101 = arith.constant 0 : i32
      %dma_wait3A_102 = arith.constant 0 : i32
      %dma_wait3A_103 = tpu.memref_slice %arg2[%run_scoped3A_8, %add3A, %dma_wait3A_101, %dma_wait3A_102] : memref<25x32x8x128xi32, #tpu.memory_space<hbm>> -> memref<1x1x8x128xi32, #tpu.memory_space<hbm>>
      %dma_wait3A_104 = tpu.memref_squeeze %dma_wait3A_103 : memref<1x1x8x128xi32, #tpu.memory_space<hbm>> -> memref<8x128xi32, #tpu.memory_space<hbm>>
      tpu.wait_dma2 semaphore(%run_scoped3A_72 : memref<!tpu.dma_semaphore, #tpu.memory_space<semaphore_mem>>) src(%dma_wait3A_104 : memref<8x128xi32, #tpu.memory_space<hbm>>) dst(%dma_wait3A_100 : memref<8x128xi32, #tpu.memory_space<vmem>>)
      tpu.yield
    }) : () -> ()
    %run_scoped3A_10 = arith.constant 5 : i32
    %run_scoped3A_11 = arith.constant 5 : i32
    "tpu.region"() ({
      %run_scoped3A_72 = tpu.sem_alloc : memref<!tpu.dma_semaphore, #tpu.memory_space<semaphore_mem>>
      %dma_start3A_73 = arith.constant 0 : i32
      %dma_start3A_74 = arith.constant 0 : i32
      %dma_start3A_75 = tpu.memref_slice %arg5[%run_scoped3A_11, %dma_start3A_73, %dma_start3A_74] : memref<25x8x128xi32, #tpu.memory_space<vmem>> -> memref<1x8x128xi32, #tpu.memory_space<vmem>>
      %dma_start3A_76 = tpu.memref_squeeze %dma_start3A_75 : memref<1x8x128xi32, #tpu.memory_space<vmem>> -> memref<8x128xi32, #tpu.memory_space<vmem>>
      %dma_start3A_77 = arith.constant 0 : i32
      %dma_start3A_78 = arith.constant 0 : i32
      %dma_start3A_79 = tpu.memref_slice %arg2[%run_scoped3A_10, %add3A, %dma_start3A_77, %dma_start3A_78] : memref<25x32x8x128xi32, #tpu.memory_space<hbm>> -> memref<1x1x8x128xi32, #tpu.memory_space<hbm>>
      %dma_start3A_80 = tpu.memref_squeeze %dma_start3A_79 : memref<1x1x8x128xi32, #tpu.memory_space<hbm>> -> memref<8x128xi32, #tpu.memory_space<hbm>>
      %dma_start3A_81 = arith.constant 0 : i32
      %dma_start3A_82 = arith.constant 0 : i32
      %dma_start3A_83 = tpu.memref_slice %arg5[%run_scoped3A_11, %dma_start3A_81, %dma_start3A_82] : memref<25x8x128xi32, #tpu.memory_space<vmem>> -> memref<1x8x128xi32, #tpu.memory_space<vmem>>
      %dma_start3A_84 = tpu.memref_squeeze %dma_start3A_83 : memref<1x8x128xi32, #tpu.memory_space<vmem>> -> memref<8x128xi32, #tpu.memory_space<vmem>>
      %dma_start3A_85 = arith.constant 0 : i32
      %dma_start3A_86 = arith.constant 0 : i32
      %dma_start3A_87 = tpu.memref_slice %arg2[%run_scoped3A_10, %add3A, %dma_start3A_85, %dma_start3A_86] : memref<25x32x8x128xi32, #tpu.memory_space<hbm>> -> memref<1x1x8x128xi32, #tpu.memory_space<hbm>>
      %dma_start3A_88 = tpu.memref_squeeze %dma_start3A_87 : memref<1x1x8x128xi32, #tpu.memory_space<hbm>> -> memref<8x128xi32, #tpu.memory_space<hbm>>
      tpu.enqueue_dma source(%dma_start3A_88 : memref<8x128xi32, #tpu.memory_space<hbm>>) target(%dma_start3A_84 : memref<8x128xi32, #tpu.memory_space<vmem>>) target_semaphore(%run_scoped3A_72 : memref<!tpu.dma_semaphore, #tpu.memory_space<semaphore_mem>>)
      %dma_wait3A_89 = arith.constant 0 : i32
      %dma_wait3A_90 = arith.constant 0 : i32
      %dma_wait3A_91 = tpu.memref_slice %arg5[%run_scoped3A_11, %dma_wait3A_89, %dma_wait3A_90] : memref<25x8x128xi32, #tpu.memory_space<vmem>> -> memref<1x8x128xi32, #tpu.memory_space<vmem>>
      %dma_wait3A_92 = tpu.memref_squeeze %dma_wait3A_91 : memref<1x8x128xi32, #tpu.memory_space<vmem>> -> memref<8x128xi32, #tpu.memory_space<vmem>>
      %dma_wait3A_93 = arith.constant 0 : i32
      %dma_wait3A_94 = arith.constant 0 : i32
      %dma_wait3A_95 = tpu.memref_slice %arg2[%run_scoped3A_10, %add3A, %dma_wait3A_93, %dma_wait3A_94] : memref<25x32x8x128xi32, #tpu.memory_space<hbm>> -> memref<1x1x8x128xi32, #tpu.memory_space<hbm>>
      %dma_wait3A_96 = tpu.memref_squeeze %dma_wait3A_95 : memref<1x1x8x128xi32, #tpu.memory_space<hbm>> -> memref<8x128xi32, #tpu.memory_space<hbm>>
      %dma_wait3A_97 = arith.constant 0 : i32
      %dma_wait3A_98 = arith.constant 0 : i32
      %dma_wait3A_99 = tpu.memref_slice %arg5[%run_scoped3A_11, %dma_wait3A_97, %dma_wait3A_98] : memref<25x8x128xi32, #tpu.memory_space<vmem>> -> memref<1x8x128xi32, #tpu.memory_space<vmem>>
      %dma_wait3A_100 = tpu.memref_squeeze %dma_wait3A_99 : memref<1x8x128xi32, #tpu.memory_space<vmem>> -> memref<8x128xi32, #tpu.memory_space<vmem>>
      %dma_wait3A_101 = arith.constant 0 : i32
      %dma_wait3A_102 = arith.constant 0 : i32
      %dma_wait3A_103 = tpu.memref_slice %arg2[%run_scoped3A_10, %add3A, %dma_wait3A_101, %dma_wait3A_102] : memref<25x32x8x128xi32, #tpu.memory_space<hbm>> -> memref<1x1x8x128xi32, #tpu.memory_space<hbm>>
      %dma_wait3A_104 = tpu.memref_squeeze %dma_wait3A_103 : memref<1x1x8x128xi32, #tpu.memory_space<hbm>> -> memref<8x128xi32, #tpu.memory_space<hbm>>
      tpu.wait_dma2 semaphore(%run_scoped3A_72 : memref<!tpu.dma_semaphore, #tpu.memory_space<semaphore_mem>>) src(%dma_wait3A_104 : memref<8x128xi32, #tpu.memory_space<hbm>>) dst(%dma_wait3A_100 : memref<8x128xi32, #tpu.memory_space<vmem>>)
      tpu.yield
    }) : () -> ()
    %run_scoped3A_12 = arith.constant 6 : i32
    %run_scoped3A_13 = arith.constant 6 : i32
    "tpu.region"() ({
      %run_scoped3A_72 = tpu.sem_alloc : memref<!tpu.dma_semaphore, #tpu.memory_space<semaphore_mem>>
      %dma_start3A_73 = arith.constant 0 : i32
      %dma_start3A_74 = arith.constant 0 : i32
      %dma_start3A_75 = tpu.memref_slice %arg5[%run_scoped3A_13, %dma_start3A_73, %dma_start3A_74] : memref<25x8x128xi32, #tpu.memory_space<vmem>> -> memref<1x8x128xi32, #tpu.memory_space<vmem>>
      %dma_start3A_76 = tpu.memref_squeeze %dma_start3A_75 : memref<1x8x128xi32, #tpu.memory_space<vmem>> -> memref<8x128xi32, #tpu.memory_space<vmem>>
      %dma_start3A_77 = arith.constant 0 : i32
      %dma_start3A_78 = arith.constant 0 : i32
      %dma_start3A_79 = tpu.memref_slice %arg2[%run_scoped3A_12, %add3A, %dma_start3A_77, %dma_start3A_78] : memref<25x32x8x128xi32, #tpu.memory_space<hbm>> -> memref<1x1x8x128xi32, #tpu.memory_space<hbm>>
      %dma_start3A_80 = tpu.memref_squeeze %dma_start3A_79 : memref<1x1x8x128xi32, #tpu.memory_space<hbm>> -> memref<8x128xi32, #tpu.memory_space<hbm>>
      %dma_start3A_81 = arith.constant 0 : i32
      %dma_start3A_82 = arith.constant 0 : i32
      %dma_start3A_83 = tpu.memref_slice %arg5[%run_scoped3A_13, %dma_start3A_81, %dma_start3A_82] : memref<25x8x128xi32, #tpu.memory_space<vmem>> -> memref<1x8x128xi32, #tpu.memory_space<vmem>>
      %dma_start3A_84 = tpu.memref_squeeze %dma_start3A_83 : memref<1x8x128xi32, #tpu.memory_space<vmem>> -> memref<8x128xi32, #tpu.memory_space<vmem>>
      %dma_start3A_85 = arith.constant 0 : i32
      %dma_start3A_86 = arith.constant 0 : i32
      %dma_start3A_87 = tpu.memref_slice %arg2[%run_scoped3A_12, %add3A, %dma_start3A_85, %dma_start3A_86] : memref<25x32x8x128xi32, #tpu.memory_space<hbm>> -> memref<1x1x8x128xi32, #tpu.memory_space<hbm>>
      %dma_start3A_88 = tpu.memref_squeeze %dma_start3A_87 : memref<1x1x8x128xi32, #tpu.memory_space<hbm>> -> memref<8x128xi32, #tpu.memory_space<hbm>>
      tpu.enqueue_dma source(%dma_start3A_88 : memref<8x128xi32, #tpu.memory_space<hbm>>) target(%dma_start3A_84 : memref<8x128xi32, #tpu.memory_space<vmem>>) target_semaphore(%run_scoped3A_72 : memref<!tpu.dma_semaphore, #tpu.memory_space<semaphore_mem>>)
      %dma_wait3A_89 = arith.constant 0 : i32
      %dma_wait3A_90 = arith.constant 0 : i32
      %dma_wait3A_91 = tpu.memref_slice %arg5[%run_scoped3A_13, %dma_wait3A_89, %dma_wait3A_90] : memref<25x8x128xi32, #tpu.memory_space<vmem>> -> memref<1x8x128xi32, #tpu.memory_space<vmem>>
      %dma_wait3A_92 = tpu.memref_squeeze %dma_wait3A_91 : memref<1x8x128xi32, #tpu.memory_space<vmem>> -> memref<8x128xi32, #tpu.memory_space<vmem>>
      %dma_wait3A_93 = arith.constant 0 : i32
      %dma_wait3A_94 = arith.constant 0 : i32
      %dma_wait3A_95 = tpu.memref_slice %arg2[%run_scoped3A_12, %add3A, %dma_wait3A_93, %dma_wait3A_94] : memref<25x32x8x128xi32, #tpu.memory_space<hbm>> -> memref<1x1x8x128xi32, #tpu.memory_space<hbm>>
      %dma_wait3A_96 = tpu.memref_squeeze %dma_wait3A_95 : memref<1x1x8x128xi32, #tpu.memory_space<hbm>> -> memref<8x128xi32, #tpu.memory_space<hbm>>
      %dma_wait3A_97 = arith.constant 0 : i32
      %dma_wait3A_98 = arith.constant 0 : i32
      %dma_wait3A_99 = tpu.memref_slice %arg5[%run_scoped3A_13, %dma_wait3A_97, %dma_wait3A_98] : memref<25x8x128xi32, #tpu.memory_space<vmem>> -> memref<1x8x128xi32, #tpu.memory_space<vmem>>
      %dma_wait3A_100 = tpu.memref_squeeze %dma_wait3A_99 : memref<1x8x128xi32, #tpu.memory_space<vmem>> -> memref<8x128xi32, #tpu.memory_space<vmem>>
      %dma_wait3A_101 = arith.constant 0 : i32
      %dma_wait3A_102 = arith.constant 0 : i32
      %dma_wait3A_103 = tpu.memref_slice %arg2[%run_scoped3A_12, %add3A, %dma_wait3A_101, %dma_wait3A_102] : memref<25x32x8x128xi32, #tpu.memory_space<hbm>> -> memref<1x1x8x128xi32, #tpu.memory_space<hbm>>
      %dma_wait3A_104 = tpu.memref_squeeze %dma_wait3A_103 : memref<1x1x8x128xi32, #tpu.memory_space<hbm>> -> memref<8x128xi32, #tpu.memory_space<hbm>>
      tpu.wait_dma2 semaphore(%run_scoped3A_72 : memref<!tpu.dma_semaphore, #tpu.memory_space<semaphore_mem>>) src(%dma_wait3A_104 : memref<8x128xi32, #tpu.memory_space<hbm>>) dst(%dma_wait3A_100 : memref<8x128xi32, #tpu.memory_space<vmem>>)
      tpu.yield
    }) : () -> ()
    %run_scoped3A_14 = arith.constant 7 : i32
    %run_scoped3A_15 = arith.constant 7 : i32
    "tpu.region"() ({
      %run_scoped3A_72 = tpu.sem_alloc : memref<!tpu.dma_semaphore, #tpu.memory_space<semaphore_mem>>
      %dma_start3A_73 = arith.constant 0 : i32
      %dma_start3A_74 = arith.constant 0 : i32
      %dma_start3A_75 = tpu.memref_slice %arg5[%run_scoped3A_15, %dma_start3A_73, %dma_start3A_74] : memref<25x8x128xi32, #tpu.memory_space<vmem>> -> memref<1x8x128xi32, #tpu.memory_space<vmem>>
      %dma_start3A_76 = tpu.memref_squeeze %dma_start3A_75 : memref<1x8x128xi32, #tpu.memory_space<vmem>> -> memref<8x128xi32, #tpu.memory_space<vmem>>
      %dma_start3A_77 = arith.constant 0 : i32
      %dma_start3A_78 = arith.constant 0 : i32
      %dma_start3A_79 = tpu.memref_slice %arg2[%run_scoped3A_14, %add3A, %dma_start3A_77, %dma_start3A_78] : memref<25x32x8x128xi32, #tpu.memory_space<hbm>> -> memref<1x1x8x128xi32, #tpu.memory_space<hbm>>
      %dma_start3A_80 = tpu.memref_squeeze %dma_start3A_79 : memref<1x1x8x128xi32, #tpu.memory_space<hbm>> -> memref<8x128xi32, #tpu.memory_space<hbm>>
      %dma_start3A_81 = arith.constant 0 : i32
      %dma_start3A_82 = arith.constant 0 : i32
      %dma_start3A_83 = tpu.memref_slice %arg5[%run_scoped3A_15, %dma_start3A_81, %dma_start3A_82] : memref<25x8x128xi32, #tpu.memory_space<vmem>> -> memref<1x8x128xi32, #tpu.memory_space<vmem>>
      %dma_start3A_84 = tpu.memref_squeeze %dma_start3A_83 : memref<1x8x128xi32, #tpu.memory_space<vmem>> -> memref<8x128xi32, #tpu.memory_space<vmem>>
      %dma_start3A_85 = arith.constant 0 : i32
      %dma_start3A_86 = arith.constant 0 : i32
      %dma_start3A_87 = tpu.memref_slice %arg2[%run_scoped3A_14, %add3A, %dma_start3A_85, %dma_start3A_86] : memref<25x32x8x128xi32, #tpu.memory_space<hbm>> -> memref<1x1x8x128xi32, #tpu.memory_space<hbm>>
      %dma_start3A_88 = tpu.memref_squeeze %dma_start3A_87 : memref<1x1x8x128xi32, #tpu.memory_space<hbm>> -> memref<8x128xi32, #tpu.memory_space<hbm>>
      tpu.enqueue_dma source(%dma_start3A_88 : memref<8x128xi32, #tpu.memory_space<hbm>>) target(%dma_start3A_84 : memref<8x128xi32, #tpu.memory_space<vmem>>) target_semaphore(%run_scoped3A_72 : memref<!tpu.dma_semaphore, #tpu.memory_space<semaphore_mem>>)
      %dma_wait3A_89 = arith.constant 0 : i32
      %dma_wait3A_90 = arith.constant 0 : i32
      %dma_wait3A_91 = tpu.memref_slice %arg5[%run_scoped3A_15, %dma_wait3A_89, %dma_wait3A_90] : memref<25x8x128xi32, #tpu.memory_space<vmem>> -> memref<1x8x128xi32, #tpu.memory_space<vmem>>
      %dma_wait3A_92 = tpu.memref_squeeze %dma_wait3A_91 : memref<1x8x128xi32, #tpu.memory_space<vmem>> -> memref<8x128xi32, #tpu.memory_space<vmem>>
      %dma_wait3A_93 = arith.constant 0 : i32
      %dma_wait3A_94 = arith.constant 0 : i32
      %dma_wait3A_95 = tpu.memref_slice %arg2[%run_scoped3A_14, %add3A, %dma_wait3A_93, %dma_wait3A_94] : memref<25x32x8x128xi32, #tpu.memory_space<hbm>> -> memref<1x1x8x128xi32, #tpu.memory_space<hbm>>
      %dma_wait3A_96 = tpu.memref_squeeze %dma_wait3A_95 : memref<1x1x8x128xi32, #tpu.memory_space<hbm>> -> memref<8x128xi32, #tpu.memory_space<hbm>>
      %dma_wait3A_97 = arith.constant 0 : i32
      %dma_wait3A_98 = arith.constant 0 : i32
      %dma_wait3A_99 = tpu.memref_slice %arg5[%run_scoped3A_15, %dma_wait3A_97, %dma_wait3A_98] : memref<25x8x128xi32, #tpu.memory_space<vmem>> -> memref<1x8x128xi32, #tpu.memory_space<vmem>>
      %dma_wait3A_100 = tpu.memref_squeeze %dma_wait3A_99 : memref<1x8x128xi32, #tpu.memory_space<vmem>> -> memref<8x128xi32, #tpu.memory_space<vmem>>
      %dma_wait3A_101 = arith.constant 0 : i32
      %dma_wait3A_102 = arith.constant 0 : i32
      %dma_wait3A_103 = tpu.memref_slice %arg2[%run_scoped3A_14, %add3A, %dma_wait3A_101, %dma_wait3A_102] : memref<25x32x8x128xi32, #tpu.memory_space<hbm>> -> memref<1x1x8x128xi32, #tpu.memory_space<hbm>>
      %dma_wait3A_104 = tpu.memref_squeeze %dma_wait3A_103 : memref<1x1x8x128xi32, #tpu.memory_space<hbm>> -> memref<8x128xi32, #tpu.memory_space<hbm>>
      tpu.wait_dma2 semaphore(%run_scoped3A_72 : memref<!tpu.dma_semaphore, #tpu.memory_space<semaphore_mem>>) src(%dma_wait3A_104 : memref<8x128xi32, #tpu.memory_space<hbm>>) dst(%dma_wait3A_100 : memref<8x128xi32, #tpu.memory_space<vmem>>)
      tpu.yield
    }) : () -> ()
    %run_scoped3A_16 = arith.constant 8 : i32
    %run_scoped3A_17 = arith.constant 8 : i32
    "tpu.region"() ({
      %run_scoped3A_72 = tpu.sem_alloc : memref<!tpu.dma_semaphore, #tpu.memory_space<semaphore_mem>>
      %dma_start3A_73 = arith.constant 0 : i32
      %dma_start3A_74 = arith.constant 0 : i32
      %dma_start3A_75 = tpu.memref_slice %arg5[%run_scoped3A_17, %dma_start3A_73, %dma_start3A_74] : memref<25x8x128xi32, #tpu.memory_space<vmem>> -> memref<1x8x128xi32, #tpu.memory_space<vmem>>
      %dma_start3A_76 = tpu.memref_squeeze %dma_start3A_75 : memref<1x8x128xi32, #tpu.memory_space<vmem>> -> memref<8x128xi32, #tpu.memory_space<vmem>>
      %dma_start3A_77 = arith.constant 0 : i32
      %dma_start3A_78 = arith.constant 0 : i32
      %dma_start3A_79 = tpu.memref_slice %arg2[%run_scoped3A_16, %add3A, %dma_start3A_77, %dma_start3A_78] : memref<25x32x8x128xi32, #tpu.memory_space<hbm>> -> memref<1x1x8x128xi32, #tpu.memory_space<hbm>>
      %dma_start3A_80 = tpu.memref_squeeze %dma_start3A_79 : memref<1x1x8x128xi32, #tpu.memory_space<hbm>> -> memref<8x128xi32, #tpu.memory_space<hbm>>
      %dma_start3A_81 = arith.constant 0 : i32
      %dma_start3A_82 = arith.constant 0 : i32
      %dma_start3A_83 = tpu.memref_slice %arg5[%run_scoped3A_17, %dma_start3A_81, %dma_start3A_82] : memref<25x8x128xi32, #tpu.memory_space<vmem>> -> memref<1x8x128xi32, #tpu.memory_space<vmem>>
      %dma_start3A_84 = tpu.memref_squeeze %dma_start3A_83 : memref<1x8x128xi32, #tpu.memory_space<vmem>> -> memref<8x128xi32, #tpu.memory_space<vmem>>
      %dma_start3A_85 = arith.constant 0 : i32
      %dma_start3A_86 = arith.constant 0 : i32
      %dma_start3A_87 = tpu.memref_slice %arg2[%run_scoped3A_16, %add3A, %dma_start3A_85, %dma_start3A_86] : memref<25x32x8x128xi32, #tpu.memory_space<hbm>> -> memref<1x1x8x128xi32, #tpu.memory_space<hbm>>
      %dma_start3A_88 = tpu.memref_squeeze %dma_start3A_87 : memref<1x1x8x128xi32, #tpu.memory_space<hbm>> -> memref<8x128xi32, #tpu.memory_space<hbm>>
      tpu.enqueue_dma source(%dma_start3A_88 : memref<8x128xi32, #tpu.memory_space<hbm>>) target(%dma_start3A_84 : memref<8x128xi32, #tpu.memory_space<vmem>>) target_semaphore(%run_scoped3A_72 : memref<!tpu.dma_semaphore, #tpu.memory_space<semaphore_mem>>)
      %dma_wait3A_89 = arith.constant 0 : i32
      %dma_wait3A_90 = arith.constant 0 : i32
      %dma_wait3A_91 = tpu.memref_slice %arg5[%run_scoped3A_17, %dma_wait3A_89, %dma_wait3A_90] : memref<25x8x128xi32, #tpu.memory_space<vmem>> -> memref<1x8x128xi32, #tpu.memory_space<vmem>>
      %dma_wait3A_92 = tpu.memref_squeeze %dma_wait3A_91 : memref<1x8x128xi32, #tpu.memory_space<vmem>> -> memref<8x128xi32, #tpu.memory_space<vmem>>
      %dma_wait3A_93 = arith.constant 0 : i32
      %dma_wait3A_94 = arith.constant 0 : i32
      %dma_wait3A_95 = tpu.memref_slice %arg2[%run_scoped3A_16, %add3A, %dma_wait3A_93, %dma_wait3A_94] : memref<25x32x8x128xi32, #tpu.memory_space<hbm>> -> memref<1x1x8x128xi32, #tpu.memory_space<hbm>>
      %dma_wait3A_96 = tpu.memref_squeeze %dma_wait3A_95 : memref<1x1x8x128xi32, #tpu.memory_space<hbm>> -> memref<8x128xi32, #tpu.memory_space<hbm>>
      %dma_wait3A_97 = arith.constant 0 : i32
      %dma_wait3A_98 = arith.constant 0 : i32
      %dma_wait3A_99 = tpu.memref_slice %arg5[%run_scoped3A_17, %dma_wait3A_97, %dma_wait3A_98] : memref<25x8x128xi32, #tpu.memory_space<vmem>> -> memref<1x8x128xi32, #tpu.memory_space<vmem>>
      %dma_wait3A_100 = tpu.memref_squeeze %dma_wait3A_99 : memref<1x8x128xi32, #tpu.memory_space<vmem>> -> memref<8x128xi32, #tpu.memory_space<vmem>>
      %dma_wait3A_101 = arith.constant 0 : i32
      %dma_wait3A_102 = arith.constant 0 : i32
      %dma_wait3A_103 = tpu.memref_slice %arg2[%run_scoped3A_16, %add3A, %dma_wait3A_101, %dma_wait3A_102] : memref<25x32x8x128xi32, #tpu.memory_space<hbm>> -> memref<1x1x8x128xi32, #tpu.memory_space<hbm>>
      %dma_wait3A_104 = tpu.memref_squeeze %dma_wait3A_103 : memref<1x1x8x128xi32, #tpu.memory_space<hbm>> -> memref<8x128xi32, #tpu.memory_space<hbm>>
      tpu.wait_dma2 semaphore(%run_scoped3A_72 : memref<!tpu.dma_semaphore, #tpu.memory_space<semaphore_mem>>) src(%dma_wait3A_104 : memref<8x128xi32, #tpu.memory_space<hbm>>) dst(%dma_wait3A_100 : memref<8x128xi32, #tpu.memory_space<vmem>>)
      tpu.yield
    }) : () -> ()
    %run_scoped3A_18 = arith.constant 9 : i32
    %run_scoped3A_19 = arith.constant 9 : i32
    "tpu.region"() ({
      %run_scoped3A_72 = tpu.sem_alloc : memref<!tpu.dma_semaphore, #tpu.memory_space<semaphore_mem>>
      %dma_start3A_73 = arith.constant 0 : i32
      %dma_start3A_74 = arith.constant 0 : i32
      %dma_start3A_75 = tpu.memref_slice %arg5[%run_scoped3A_19, %dma_start3A_73, %dma_start3A_74] : memref<25x8x128xi32, #tpu.memory_space<vmem>> -> memref<1x8x128xi32, #tpu.memory_space<vmem>>
      %dma_start3A_76 = tpu.memref_squeeze %dma_start3A_75 : memref<1x8x128xi32, #tpu.memory_space<vmem>> -> memref<8x128xi32, #tpu.memory_space<vmem>>
      %dma_start3A_77 = arith.constant 0 : i32
      %dma_start3A_78 = arith.constant 0 : i32
      %dma_start3A_79 = tpu.memref_slice %arg2[%run_scoped3A_18, %add3A, %dma_start3A_77, %dma_start3A_78] : memref<25x32x8x128xi32, #tpu.memory_space<hbm>> -> memref<1x1x8x128xi32, #tpu.memory_space<hbm>>
      %dma_start3A_80 = tpu.memref_squeeze %dma_start3A_79 : memref<1x1x8x128xi32, #tpu.memory_space<hbm>> -> memref<8x128xi32, #tpu.memory_space<hbm>>
      %dma_start3A_81 = arith.constant 0 : i32
      %dma_start3A_82 = arith.constant 0 : i32
      %dma_start3A_83 = tpu.memref_slice %arg5[%run_scoped3A_19, %dma_start3A_81, %dma_start3A_82] : memref<25x8x128xi32, #tpu.memory_space<vmem>> -> memref<1x8x128xi32, #tpu.memory_space<vmem>>
      %dma_start3A_84 = tpu.memref_squeeze %dma_start3A_83 : memref<1x8x128xi32, #tpu.memory_space<vmem>> -> memref<8x128xi32, #tpu.memory_space<vmem>>
      %dma_start3A_85 = arith.constant 0 : i32
      %dma_start3A_86 = arith.constant 0 : i32
      %dma_start3A_87 = tpu.memref_slice %arg2[%run_scoped3A_18, %add3A, %dma_start3A_85, %dma_start3A_86] : memref<25x32x8x128xi32, #tpu.memory_space<hbm>> -> memref<1x1x8x128xi32, #tpu.memory_space<hbm>>
      %dma_start3A_88 = tpu.memref_squeeze %dma_start3A_87 : memref<1x1x8x128xi32, #tpu.memory_space<hbm>> -> memref<8x128xi32, #tpu.memory_space<hbm>>
      tpu.enqueue_dma source(%dma_start3A_88 : memref<8x128xi32, #tpu.memory_space<hbm>>) target(%dma_start3A_84 : memref<8x128xi32, #tpu.memory_space<vmem>>) target_semaphore(%run_scoped3A_72 : memref<!tpu.dma_semaphore, #tpu.memory_space<semaphore_mem>>)
      %dma_wait3A_89 = arith.constant 0 : i32
      %dma_wait3A_90 = arith.constant 0 : i32
      %dma_wait3A_91 = tpu.memref_slice %arg5[%run_scoped3A_19, %dma_wait3A_89, %dma_wait3A_90] : memref<25x8x128xi32, #tpu.memory_space<vmem>> -> memref<1x8x128xi32, #tpu.memory_space<vmem>>
      %dma_wait3A_92 = tpu.memref_squeeze %dma_wait3A_91 : memref<1x8x128xi32, #tpu.memory_space<vmem>> -> memref<8x128xi32, #tpu.memory_space<vmem>>
      %dma_wait3A_93 = arith.constant 0 : i32
      %dma_wait3A_94 = arith.constant 0 : i32
      %dma_wait3A_95 = tpu.memref_slice %arg2[%run_scoped3A_18, %add3A, %dma_wait3A_93, %dma_wait3A_94] : memref<25x32x8x128xi32, #tpu.memory_space<hbm>> -> memref<1x1x8x128xi32, #tpu.memory_space<hbm>>
      %dma_wait3A_96 = tpu.memref_squeeze %dma_wait3A_95 : memref<1x1x8x128xi32, #tpu.memory_space<hbm>> -> memref<8x128xi32, #tpu.memory_space<hbm>>
      %dma_wait3A_97 = arith.constant 0 : i32
      %dma_wait3A_98 = arith.constant 0 : i32
      %dma_wait3A_99 = tpu.memref_slice %arg5[%run_scoped3A_19, %dma_wait3A_97, %dma_wait3A_98] : memref<25x8x128xi32, #tpu.memory_space<vmem>> -> memref<1x8x128xi32, #tpu.memory_space<vmem>>
      %dma_wait3A_100 = tpu.memref_squeeze %dma_wait3A_99 : memref<1x8x128xi32, #tpu.memory_space<vmem>> -> memref<8x128xi32, #tpu.memory_space<vmem>>
      %dma_wait3A_101 = arith.constant 0 : i32
      %dma_wait3A_102 = arith.constant 0 : i32
      %dma_wait3A_103 = tpu.memref_slice %arg2[%run_scoped3A_18, %add3A, %dma_wait3A_101, %dma_wait3A_102] : memref<25x32x8x128xi32, #tpu.memory_space<hbm>> -> memref<1x1x8x128xi32, #tpu.memory_space<hbm>>
      %dma_wait3A_104 = tpu.memref_squeeze %dma_wait3A_103 : memref<1x1x8x128xi32, #tpu.memory_space<hbm>> -> memref<8x128xi32, #tpu.memory_space<hbm>>
      tpu.wait_dma2 semaphore(%run_scoped3A_72 : memref<!tpu.dma_semaphore, #tpu.memory_space<semaphore_mem>>) src(%dma_wait3A_104 : memref<8x128xi32, #tpu.memory_space<hbm>>) dst(%dma_wait3A_100 : memref<8x128xi32, #tpu.memory_space<vmem>>)
      tpu.yield
    }) : () -> ()
    %run_scoped3A_20 = arith.constant 10 : i32
    %run_scoped3A_21 = arith.constant 10 : i32
    "tpu.region"() ({
      %run_scoped3A_72 = tpu.sem_alloc : memref<!tpu.dma_semaphore, #tpu.memory_space<semaphore_mem>>
      %dma_start3A_73 = arith.constant 0 : i32
      %dma_start3A_74 = arith.constant 0 : i32
      %dma_start3A_75 = tpu.memref_slice %arg5[%run_scoped3A_21, %dma_start3A_73, %dma_start3A_74] : memref<25x8x128xi32, #tpu.memory_space<vmem>> -> memref<1x8x128xi32, #tpu.memory_space<vmem>>
      %dma_start3A_76 = tpu.memref_squeeze %dma_start3A_75 : memref<1x8x128xi32, #tpu.memory_space<vmem>> -> memref<8x128xi32, #tpu.memory_space<vmem>>
      %dma_start3A_77 = arith.constant 0 : i32
      %dma_start3A_78 = arith.constant 0 : i32
      %dma_start3A_79 = tpu.memref_slice %arg2[%run_scoped3A_20, %add3A, %dma_start3A_77, %dma_start3A_78] : memref<25x32x8x128xi32, #tpu.memory_space<hbm>> -> memref<1x1x8x128xi32, #tpu.memory_space<hbm>>
      %dma_start3A_80 = tpu.memref_squeeze %dma_start3A_79 : memref<1x1x8x128xi32, #tpu.memory_space<hbm>> -> memref<8x128xi32, #tpu.memory_space<hbm>>
      %dma_start3A_81 = arith.constant 0 : i32
      %dma_start3A_82 = arith.constant 0 : i32
      %dma_start3A_83 = tpu.memref_slice %arg5[%run_scoped3A_21, %dma_start3A_81, %dma_start3A_82] : memref<25x8x128xi32, #tpu.memory_space<vmem>> -> memref<1x8x128xi32, #tpu.memory_space<vmem>>
      %dma_start3A_84 = tpu.memref_squeeze %dma_start3A_83 : memref<1x8x128xi32, #tpu.memory_space<vmem>> -> memref<8x128xi32, #tpu.memory_space<vmem>>
      %dma_start3A_85 = arith.constant 0 : i32
      %dma_start3A_86 = arith.constant 0 : i32
      %dma_start3A_87 = tpu.memref_slice %arg2[%run_scoped3A_20, %add3A, %dma_start3A_85, %dma_start3A_86] : memref<25x32x8x128xi32, #tpu.memory_space<hbm>> -> memref<1x1x8x128xi32, #tpu.memory_space<hbm>>
      %dma_start3A_88 = tpu.memref_squeeze %dma_start3A_87 : memref<1x1x8x128xi32, #tpu.memory_space<hbm>> -> memref<8x128xi32, #tpu.memory_space<hbm>>
      tpu.enqueue_dma source(%dma_start3A_88 : memref<8x128xi32, #tpu.memory_space<hbm>>) target(%dma_start3A_84 : memref<8x128xi32, #tpu.memory_space<vmem>>) target_semaphore(%run_scoped3A_72 : memref<!tpu.dma_semaphore, #tpu.memory_space<semaphore_mem>>)
      %dma_wait3A_89 = arith.constant 0 : i32
      %dma_wait3A_90 = arith.constant 0 : i32
      %dma_wait3A_91 = tpu.memref_slice %arg5[%run_scoped3A_21, %dma_wait3A_89, %dma_wait3A_90] : memref<25x8x128xi32, #tpu.memory_space<vmem>> -> memref<1x8x128xi32, #tpu.memory_space<vmem>>
      %dma_wait3A_92 = tpu.memref_squeeze %dma_wait3A_91 : memref<1x8x128xi32, #tpu.memory_space<vmem>> -> memref<8x128xi32, #tpu.memory_space<vmem>>
      %dma_wait3A_93 = arith.constant 0 : i32
      %dma_wait3A_94 = arith.constant 0 : i32
      %dma_wait3A_95 = tpu.memref_slice %arg2[%run_scoped3A_20, %add3A, %dma_wait3A_93, %dma_wait3A_94] : memref<25x32x8x128xi32, #tpu.memory_space<hbm>> -> memref<1x1x8x128xi32, #tpu.memory_space<hbm>>
      %dma_wait3A_96 = tpu.memref_squeeze %dma_wait3A_95 : memref<1x1x8x128xi32, #tpu.memory_space<hbm>> -> memref<8x128xi32, #tpu.memory_space<hbm>>
      %dma_wait3A_97 = arith.constant 0 : i32
      %dma_wait3A_98 = arith.constant 0 : i32
      %dma_wait3A_99 = tpu.memref_slice %arg5[%run_scoped3A_21, %dma_wait3A_97, %dma_wait3A_98] : memref<25x8x128xi32, #tpu.memory_space<vmem>> -> memref<1x8x128xi32, #tpu.memory_space<vmem>>
      %dma_wait3A_100 = tpu.memref_squeeze %dma_wait3A_99 : memref<1x8x128xi32, #tpu.memory_space<vmem>> -> memref<8x128xi32, #tpu.memory_space<vmem>>
      %dma_wait3A_101 = arith.constant 0 : i32
      %dma_wait3A_102 = arith.constant 0 : i32
      %dma_wait3A_103 = tpu.memref_slice %arg2[%run_scoped3A_20, %add3A, %dma_wait3A_101, %dma_wait3A_102] : memref<25x32x8x128xi32, #tpu.memory_space<hbm>> -> memref<1x1x8x128xi32, #tpu.memory_space<hbm>>
      %dma_wait3A_104 = tpu.memref_squeeze %dma_wait3A_103 : memref<1x1x8x128xi32, #tpu.memory_space<hbm>> -> memref<8x128xi32, #tpu.memory_space<hbm>>
      tpu.wait_dma2 semaphore(%run_scoped3A_72 : memref<!tpu.dma_semaphore, #tpu.memory_space<semaphore_mem>>) src(%dma_wait3A_104 : memref<8x128xi32, #tpu.memory_space<hbm>>) dst(%dma_wait3A_100 : memref<8x128xi32, #tpu.memory_space<vmem>>)
      tpu.yield
    }) : () -> ()
    %run_scoped3A_22 = arith.constant 11 : i32
    %run_scoped3A_23 = arith.constant 11 : i32
    "tpu.region"() ({
      %run_scoped3A_72 = tpu.sem_alloc : memref<!tpu.dma_semaphore, #tpu.memory_space<semaphore_mem>>
      %dma_start3A_73 = arith.constant 0 : i32
      %dma_start3A_74 = arith.constant 0 : i32
      %dma_start3A_75 = tpu.memref_slice %arg5[%run_scoped3A_23, %dma_start3A_73, %dma_start3A_74] : memref<25x8x128xi32, #tpu.memory_space<vmem>> -> memref<1x8x128xi32, #tpu.memory_space<vmem>>
      %dma_start3A_76 = tpu.memref_squeeze %dma_start3A_75 : memref<1x8x128xi32, #tpu.memory_space<vmem>> -> memref<8x128xi32, #tpu.memory_space<vmem>>
      %dma_start3A_77 = arith.constant 0 : i32
      %dma_start3A_78 = arith.constant 0 : i32
      %dma_start3A_79 = tpu.memref_slice %arg2[%run_scoped3A_22, %add3A, %dma_start3A_77, %dma_start3A_78] : memref<25x32x8x128xi32, #tpu.memory_space<hbm>> -> memref<1x1x8x128xi32, #tpu.memory_space<hbm>>
      %dma_start3A_80 = tpu.memref_squeeze %dma_start3A_79 : memref<1x1x8x128xi32, #tpu.memory_space<hbm>> -> memref<8x128xi32, #tpu.memory_space<hbm>>
      %dma_start3A_81 = arith.constant 0 : i32
      %dma_start3A_82 = arith.constant 0 : i32
      %dma_start3A_83 = tpu.memref_slice %arg5[%run_scoped3A_23, %dma_start3A_81, %dma_start3A_82] : memref<25x8x128xi32, #tpu.memory_space<vmem>> -> memref<1x8x128xi32, #tpu.memory_space<vmem>>
      %dma_start3A_84 = tpu.memref_squeeze %dma_start3A_83 : memref<1x8x128xi32, #tpu.memory_space<vmem>> -> memref<8x128xi32, #tpu.memory_space<vmem>>
      %dma_start3A_85 = arith.constant 0 : i32
      %dma_start3A_86 = arith.constant 0 : i32
      %dma_start3A_87 = tpu.memref_slice %arg2[%run_scoped3A_22, %add3A, %dma_start3A_85, %dma_start3A_86] : memref<25x32x8x128xi32, #tpu.memory_space<hbm>> -> memref<1x1x8x128xi32, #tpu.memory_space<hbm>>
      %dma_start3A_88 = tpu.memref_squeeze %dma_start3A_87 : memref<1x1x8x128xi32, #tpu.memory_space<hbm>> -> memref<8x128xi32, #tpu.memory_space<hbm>>
      tpu.enqueue_dma source(%dma_start3A_88 : memref<8x128xi32, #tpu.memory_space<hbm>>) target(%dma_start3A_84 : memref<8x128xi32, #tpu.memory_space<vmem>>) target_semaphore(%run_scoped3A_72 : memref<!tpu.dma_semaphore, #tpu.memory_space<semaphore_mem>>)
      %dma_wait3A_89 = arith.constant 0 : i32
      %dma_wait3A_90 = arith.constant 0 : i32
      %dma_wait3A_91 = tpu.memref_slice %arg5[%run_scoped3A_23, %dma_wait3A_89, %dma_wait3A_90] : memref<25x8x128xi32, #tpu.memory_space<vmem>> -> memref<1x8x128xi32, #tpu.memory_space<vmem>>
      %dma_wait3A_92 = tpu.memref_squeeze %dma_wait3A_91 : memref<1x8x128xi32, #tpu.memory_space<vmem>> -> memref<8x128xi32, #tpu.memory_space<vmem>>
      %dma_wait3A_93 = arith.constant 0 : i32
      %dma_wait3A_94 = arith.constant 0 : i32
      %dma_wait3A_95 = tpu.memref_slice %arg2[%run_scoped3A_22, %add3A, %dma_wait3A_93, %dma_wait3A_94] : memref<25x32x8x128xi32, #tpu.memory_space<hbm>> -> memref<1x1x8x128xi32, #tpu.memory_space<hbm>>
      %dma_wait3A_96 = tpu.memref_squeeze %dma_wait3A_95 : memref<1x1x8x128xi32, #tpu.memory_space<hbm>> -> memref<8x128xi32, #tpu.memory_space<hbm>>
      %dma_wait3A_97 = arith.constant 0 : i32
      %dma_wait3A_98 = arith.constant 0 : i32
      %dma_wait3A_99 = tpu.memref_slice %arg5[%run_scoped3A_23, %dma_wait3A_97, %dma_wait3A_98] : memref<25x8x128xi32, #tpu.memory_space<vmem>> -> memref<1x8x128xi32, #tpu.memory_space<vmem>>
      %dma_wait3A_100 = tpu.memref_squeeze %dma_wait3A_99 : memref<1x8x128xi32, #tpu.memory_space<vmem>> -> memref<8x128xi32, #tpu.memory_space<vmem>>
      %dma_wait3A_101 = arith.constant 0 : i32
      %dma_wait3A_102 = arith.constant 0 : i32
      %dma_wait3A_103 = tpu.memref_slice %arg2[%run_scoped3A_22, %add3A, %dma_wait3A_101, %dma_wait3A_102] : memref<25x32x8x128xi32, #tpu.memory_space<hbm>> -> memref<1x1x8x128xi32, #tpu.memory_space<hbm>>
      %dma_wait3A_104 = tpu.memref_squeeze %dma_wait3A_103 : memref<1x1x8x128xi32, #tpu.memory_space<hbm>> -> memref<8x128xi32, #tpu.memory_space<hbm>>
      tpu.wait_dma2 semaphore(%run_scoped3A_72 : memref<!tpu.dma_semaphore, #tpu.memory_space<semaphore_mem>>) src(%dma_wait3A_104 : memref<8x128xi32, #tpu.memory_space<hbm>>) dst(%dma_wait3A_100 : memref<8x128xi32, #tpu.memory_space<vmem>>)
      tpu.yield
    }) : () -> ()
    %run_scoped3A_24 = arith.constant 12 : i32
    %run_scoped3A_25 = arith.constant 12 : i32
    "tpu.region"() ({
      %run_scoped3A_72 = tpu.sem_alloc : memref<!tpu.dma_semaphore, #tpu.memory_space<semaphore_mem>>
      %dma_start3A_73 = arith.constant 0 : i32
      %dma_start3A_74 = arith.constant 0 : i32
      %dma_start3A_75 = tpu.memref_slice %arg5[%run_scoped3A_25, %dma_start3A_73, %dma_start3A_74] : memref<25x8x128xi32, #tpu.memory_space<vmem>> -> memref<1x8x128xi32, #tpu.memory_space<vmem>>
      %dma_start3A_76 = tpu.memref_squeeze %dma_start3A_75 : memref<1x8x128xi32, #tpu.memory_space<vmem>> -> memref<8x128xi32, #tpu.memory_space<vmem>>
      %dma_start3A_77 = arith.constant 0 : i32
      %dma_start3A_78 = arith.constant 0 : i32
      %dma_start3A_79 = tpu.memref_slice %arg2[%run_scoped3A_24, %add3A, %dma_start3A_77, %dma_start3A_78] : memref<25x32x8x128xi32, #tpu.memory_space<hbm>> -> memref<1x1x8x128xi32, #tpu.memory_space<hbm>>
      %dma_start3A_80 = tpu.memref_squeeze %dma_start3A_79 : memref<1x1x8x128xi32, #tpu.memory_space<hbm>> -> memref<8x128xi32, #tpu.memory_space<hbm>>
      %dma_start3A_81 = arith.constant 0 : i32
      %dma_start3A_82 = arith.constant 0 : i32
      %dma_start3A_83 = tpu.memref_slice %arg5[%run_scoped3A_25, %dma_start3A_81, %dma_start3A_82] : memref<25x8x128xi32, #tpu.memory_space<vmem>> -> memref<1x8x128xi32, #tpu.memory_space<vmem>>
      %dma_start3A_84 = tpu.memref_squeeze %dma_start3A_83 : memref<1x8x128xi32, #tpu.memory_space<vmem>> -> memref<8x128xi32, #tpu.memory_space<vmem>>
      %dma_start3A_85 = arith.constant 0 : i32
      %dma_start3A_86 = arith.constant 0 : i32
      %dma_start3A_87 = tpu.memref_slice %arg2[%run_scoped3A_24, %add3A, %dma_start3A_85, %dma_start3A_86] : memref<25x32x8x128xi32, #tpu.memory_space<hbm>> -> memref<1x1x8x128xi32, #tpu.memory_space<hbm>>
      %dma_start3A_88 = tpu.memref_squeeze %dma_start3A_87 : memref<1x1x8x128xi32, #tpu.memory_space<hbm>> -> memref<8x128xi32, #tpu.memory_space<hbm>>
      tpu.enqueue_dma source(%dma_start3A_88 : memref<8x128xi32, #tpu.memory_space<hbm>>) target(%dma_start3A_84 : memref<8x128xi32, #tpu.memory_space<vmem>>) target_semaphore(%run_scoped3A_72 : memref<!tpu.dma_semaphore, #tpu.memory_space<semaphore_mem>>)
      %dma_wait3A_89 = arith.constant 0 : i32
      %dma_wait3A_90 = arith.constant 0 : i32
      %dma_wait3A_91 = tpu.memref_slice %arg5[%run_scoped3A_25, %dma_wait3A_89, %dma_wait3A_90] : memref<25x8x128xi32, #tpu.memory_space<vmem>> -> memref<1x8x128xi32, #tpu.memory_space<vmem>>
      %dma_wait3A_92 = tpu.memref_squeeze %dma_wait3A_91 : memref<1x8x128xi32, #tpu.memory_space<vmem>> -> memref<8x128xi32, #tpu.memory_space<vmem>>
      %dma_wait3A_93 = arith.constant 0 : i32
      %dma_wait3A_94 = arith.constant 0 : i32
      %dma_wait3A_95 = tpu.memref_slice %arg2[%run_scoped3A_24, %add3A, %dma_wait3A_93, %dma_wait3A_94] : memref<25x32x8x128xi32, #tpu.memory_space<hbm>> -> memref<1x1x8x128xi32, #tpu.memory_space<hbm>>
      %dma_wait3A_96 = tpu.memref_squeeze %dma_wait3A_95 : memref<1x1x8x128xi32, #tpu.memory_space<hbm>> -> memref<8x128xi32, #tpu.memory_space<hbm>>
      %dma_wait3A_97 = arith.constant 0 : i32
      %dma_wait3A_98 = arith.constant 0 : i32
      %dma_wait3A_99 = tpu.memref_slice %arg5[%run_scoped3A_25, %dma_wait3A_97, %dma_wait3A_98] : memref<25x8x128xi32, #tpu.memory_space<vmem>> -> memref<1x8x128xi32, #tpu.memory_space<vmem>>
      %dma_wait3A_100 = tpu.memref_squeeze %dma_wait3A_99 : memref<1x8x128xi32, #tpu.memory_space<vmem>> -> memref<8x128xi32, #tpu.memory_space<vmem>>
      %dma_wait3A_101 = arith.constant 0 : i32
      %dma_wait3A_102 = arith.constant 0 : i32
      %dma_wait3A_103 = tpu.memref_slice %arg2[%run_scoped3A_24, %add3A, %dma_wait3A_101, %dma_wait3A_102] : memref<25x32x8x128xi32, #tpu.memory_space<hbm>> -> memref<1x1x8x128xi32, #tpu.memory_space<hbm>>
      %dma_wait3A_104 = tpu.memref_squeeze %dma_wait3A_103 : memref<1x1x8x128xi32, #tpu.memory_space<hbm>> -> memref<8x128xi32, #tpu.memory_space<hbm>>
      tpu.wait_dma2 semaphore(%run_scoped3A_72 : memref<!tpu.dma_semaphore, #tpu.memory_space<semaphore_mem>>) src(%dma_wait3A_104 : memref<8x128xi32, #tpu.memory_space<hbm>>) dst(%dma_wait3A_100 : memref<8x128xi32, #tpu.memory_space<vmem>>)
      tpu.yield
    }) : () -> ()
    %run_scoped3A_26 = arith.constant 13 : i32
    %run_scoped3A_27 = arith.constant 13 : i32
    "tpu.region"() ({
      %run_scoped3A_72 = tpu.sem_alloc : memref<!tpu.dma_semaphore, #tpu.memory_space<semaphore_mem>>
      %dma_start3A_73 = arith.constant 0 : i32
      %dma_start3A_74 = arith.constant 0 : i32
      %dma_start3A_75 = tpu.memref_slice %arg5[%run_scoped3A_27, %dma_start3A_73, %dma_start3A_74] : memref<25x8x128xi32, #tpu.memory_space<vmem>> -> memref<1x8x128xi32, #tpu.memory_space<vmem>>
      %dma_start3A_76 = tpu.memref_squeeze %dma_start3A_75 : memref<1x8x128xi32, #tpu.memory_space<vmem>> -> memref<8x128xi32, #tpu.memory_space<vmem>>
      %dma_start3A_77 = arith.constant 0 : i32
      %dma_start3A_78 = arith.constant 0 : i32
      %dma_start3A_79 = tpu.memref_slice %arg2[%run_scoped3A_26, %add3A, %dma_start3A_77, %dma_start3A_78] : memref<25x32x8x128xi32, #tpu.memory_space<hbm>> -> memref<1x1x8x128xi32, #tpu.memory_space<hbm>>
      %dma_start3A_80 = tpu.memref_squeeze %dma_start3A_79 : memref<1x1x8x128xi32, #tpu.memory_space<hbm>> -> memref<8x128xi32, #tpu.memory_space<hbm>>
      %dma_start3A_81 = arith.constant 0 : i32
      %dma_start3A_82 = arith.constant 0 : i32
      %dma_start3A_83 = tpu.memref_slice %arg5[%run_scoped3A_27, %dma_start3A_81, %dma_start3A_82] : memref<25x8x128xi32, #tpu.memory_space<vmem>> -> memref<1x8x128xi32, #tpu.memory_space<vmem>>
      %dma_start3A_84 = tpu.memref_squeeze %dma_start3A_83 : memref<1x8x128xi32, #tpu.memory_space<vmem>> -> memref<8x128xi32, #tpu.memory_space<vmem>>
      %dma_start3A_85 = arith.constant 0 : i32
      %dma_start3A_86 = arith.constant 0 : i32
      %dma_start3A_87 = tpu.memref_slice %arg2[%run_scoped3A_26, %add3A, %dma_start3A_85, %dma_start3A_86] : memref<25x32x8x128xi32, #tpu.memory_space<hbm>> -> memref<1x1x8x128xi32, #tpu.memory_space<hbm>>
      %dma_start3A_88 = tpu.memref_squeeze %dma_start3A_87 : memref<1x1x8x128xi32, #tpu.memory_space<hbm>> -> memref<8x128xi32, #tpu.memory_space<hbm>>
      tpu.enqueue_dma source(%dma_start3A_88 : memref<8x128xi32, #tpu.memory_space<hbm>>) target(%dma_start3A_84 : memref<8x128xi32, #tpu.memory_space<vmem>>) target_semaphore(%run_scoped3A_72 : memref<!tpu.dma_semaphore, #tpu.memory_space<semaphore_mem>>)
      %dma_wait3A_89 = arith.constant 0 : i32
      %dma_wait3A_90 = arith.constant 0 : i32
      %dma_wait3A_91 = tpu.memref_slice %arg5[%run_scoped3A_27, %dma_wait3A_89, %dma_wait3A_90] : memref<25x8x128xi32, #tpu.memory_space<vmem>> -> memref<1x8x128xi32, #tpu.memory_space<vmem>>
      %dma_wait3A_92 = tpu.memref_squeeze %dma_wait3A_91 : memref<1x8x128xi32, #tpu.memory_space<vmem>> -> memref<8x128xi32, #tpu.memory_space<vmem>>
      %dma_wait3A_93 = arith.constant 0 : i32
      %dma_wait3A_94 = arith.constant 0 : i32
      %dma_wait3A_95 = tpu.memref_slice %arg2[%run_scoped3A_26, %add3A, %dma_wait3A_93, %dma_wait3A_94] : memref<25x32x8x128xi32, #tpu.memory_space<hbm>> -> memref<1x1x8x128xi32, #tpu.memory_space<hbm>>
      %dma_wait3A_96 = tpu.memref_squeeze %dma_wait3A_95 : memref<1x1x8x128xi32, #tpu.memory_space<hbm>> -> memref<8x128xi32, #tpu.memory_space<hbm>>
      %dma_wait3A_97 = arith.constant 0 : i32
      %dma_wait3A_98 = arith.constant 0 : i32
      %dma_wait3A_99 = tpu.memref_slice %arg5[%run_scoped3A_27, %dma_wait3A_97, %dma_wait3A_98] : memref<25x8x128xi32, #tpu.memory_space<vmem>> -> memref<1x8x128xi32, #tpu.memory_space<vmem>>
      %dma_wait3A_100 = tpu.memref_squeeze %dma_wait3A_99 : memref<1x8x128xi32, #tpu.memory_space<vmem>> -> memref<8x128xi32, #tpu.memory_space<vmem>>
      %dma_wait3A_101 = arith.constant 0 : i32
      %dma_wait3A_102 = arith.constant 0 : i32
      %dma_wait3A_103 = tpu.memref_slice %arg2[%run_scoped3A_26, %add3A, %dma_wait3A_101, %dma_wait3A_102] : memref<25x32x8x128xi32, #tpu.memory_space<hbm>> -> memref<1x1x8x128xi32, #tpu.memory_space<hbm>>
      %dma_wait3A_104 = tpu.memref_squeeze %dma_wait3A_103 : memref<1x1x8x128xi32, #tpu.memory_space<hbm>> -> memref<8x128xi32, #tpu.memory_space<hbm>>
      tpu.wait_dma2 semaphore(%run_scoped3A_72 : memref<!tpu.dma_semaphore, #tpu.memory_space<semaphore_mem>>) src(%dma_wait3A_104 : memref<8x128xi32, #tpu.memory_space<hbm>>) dst(%dma_wait3A_100 : memref<8x128xi32, #tpu.memory_space<vmem>>)
      tpu.yield
    }) : () -> ()
    %run_scoped3A_28 = arith.constant 14 : i32
    %run_scoped3A_29 = arith.constant 14 : i32
    "tpu.region"() ({
      %run_scoped3A_72 = tpu.sem_alloc : memref<!tpu.dma_semaphore, #tpu.memory_space<semaphore_mem>>
      %dma_start3A_73 = arith.constant 0 : i32
      %dma_start3A_74 = arith.constant 0 : i32
      %dma_start3A_75 = tpu.memref_slice %arg5[%run_scoped3A_29, %dma_start3A_73, %dma_start3A_74] : memref<25x8x128xi32, #tpu.memory_space<vmem>> -> memref<1x8x128xi32, #tpu.memory_space<vmem>>
      %dma_start3A_76 = tpu.memref_squeeze %dma_start3A_75 : memref<1x8x128xi32, #tpu.memory_space<vmem>> -> memref<8x128xi32, #tpu.memory_space<vmem>>
      %dma_start3A_77 = arith.constant 0 : i32
      %dma_start3A_78 = arith.constant 0 : i32
      %dma_start3A_79 = tpu.memref_slice %arg2[%run_scoped3A_28, %add3A, %dma_start3A_77, %dma_start3A_78] : memref<25x32x8x128xi32, #tpu.memory_space<hbm>> -> memref<1x1x8x128xi32, #tpu.memory_space<hbm>>
      %dma_start3A_80 = tpu.memref_squeeze %dma_start3A_79 : memref<1x1x8x128xi32, #tpu.memory_space<hbm>> -> memref<8x128xi32, #tpu.memory_space<hbm>>
      %dma_start3A_81 = arith.constant 0 : i32
      %dma_start3A_82 = arith.constant 0 : i32
      %dma_start3A_83 = tpu.memref_slice %arg5[%run_scoped3A_29, %dma_start3A_81, %dma_start3A_82] : memref<25x8x128xi32, #tpu.memory_space<vmem>> -> memref<1x8x128xi32, #tpu.memory_space<vmem>>
      %dma_start3A_84 = tpu.memref_squeeze %dma_start3A_83 : memref<1x8x128xi32, #tpu.memory_space<vmem>> -> memref<8x128xi32, #tpu.memory_space<vmem>>
      %dma_start3A_85 = arith.constant 0 : i32
      %dma_start3A_86 = arith.constant 0 : i32
      %dma_start3A_87 = tpu.memref_slice %arg2[%run_scoped3A_28, %add3A, %dma_start3A_85, %dma_start3A_86] : memref<25x32x8x128xi32, #tpu.memory_space<hbm>> -> memref<1x1x8x128xi32, #tpu.memory_space<hbm>>
      %dma_start3A_88 = tpu.memref_squeeze %dma_start3A_87 : memref<1x1x8x128xi32, #tpu.memory_space<hbm>> -> memref<8x128xi32, #tpu.memory_space<hbm>>
      tpu.enqueue_dma source(%dma_start3A_88 : memref<8x128xi32, #tpu.memory_space<hbm>>) target(%dma_start3A_84 : memref<8x128xi32, #tpu.memory_space<vmem>>) target_semaphore(%run_scoped3A_72 : memref<!tpu.dma_semaphore, #tpu.memory_space<semaphore_mem>>)
      %dma_wait3A_89 = arith.constant 0 : i32
      %dma_wait3A_90 = arith.constant 0 : i32
      %dma_wait3A_91 = tpu.memref_slice %arg5[%run_scoped3A_29, %dma_wait3A_89, %dma_wait3A_90] : memref<25x8x128xi32, #tpu.memory_space<vmem>> -> memref<1x8x128xi32, #tpu.memory_space<vmem>>
      %dma_wait3A_92 = tpu.memref_squeeze %dma_wait3A_91 : memref<1x8x128xi32, #tpu.memory_space<vmem>> -> memref<8x128xi32, #tpu.memory_space<vmem>>
      %dma_wait3A_93 = arith.constant 0 : i32
      %dma_wait3A_94 = arith.constant 0 : i32
      %dma_wait3A_95 = tpu.memref_slice %arg2[%run_scoped3A_28, %add3A, %dma_wait3A_93, %dma_wait3A_94] : memref<25x32x8x128xi32, #tpu.memory_space<hbm>> -> memref<1x1x8x128xi32, #tpu.memory_space<hbm>>
      %dma_wait3A_96 = tpu.memref_squeeze %dma_wait3A_95 : memref<1x1x8x128xi32, #tpu.memory_space<hbm>> -> memref<8x128xi32, #tpu.memory_space<hbm>>
      %dma_wait3A_97 = arith.constant 0 : i32
      %dma_wait3A_98 = arith.constant 0 : i32
      %dma_wait3A_99 = tpu.memref_slice %arg5[%run_scoped3A_29, %dma_wait3A_97, %dma_wait3A_98] : memref<25x8x128xi32, #tpu.memory_space<vmem>> -> memref<1x8x128xi32, #tpu.memory_space<vmem>>
      %dma_wait3A_100 = tpu.memref_squeeze %dma_wait3A_99 : memref<1x8x128xi32, #tpu.memory_space<vmem>> -> memref<8x128xi32, #tpu.memory_space<vmem>>
      %dma_wait3A_101 = arith.constant 0 : i32
      %dma_wait3A_102 = arith.constant 0 : i32
      %dma_wait3A_103 = tpu.memref_slice %arg2[%run_scoped3A_28, %add3A, %dma_wait3A_101, %dma_wait3A_102] : memref<25x32x8x128xi32, #tpu.memory_space<hbm>> -> memref<1x1x8x128xi32, #tpu.memory_space<hbm>>
      %dma_wait3A_104 = tpu.memref_squeeze %dma_wait3A_103 : memref<1x1x8x128xi32, #tpu.memory_space<hbm>> -> memref<8x128xi32, #tpu.memory_space<hbm>>
      tpu.wait_dma2 semaphore(%run_scoped3A_72 : memref<!tpu.dma_semaphore, #tpu.memory_space<semaphore_mem>>) src(%dma_wait3A_104 : memref<8x128xi32, #tpu.memory_space<hbm>>) dst(%dma_wait3A_100 : memref<8x128xi32, #tpu.memory_space<vmem>>)
      tpu.yield
    }) : () -> ()
    %run_scoped3A_30 = arith.constant 15 : i32
    %run_scoped3A_31 = arith.constant 15 : i32
    "tpu.region"() ({
      %run_scoped3A_72 = tpu.sem_alloc : memref<!tpu.dma_semaphore, #tpu.memory_space<semaphore_mem>>
      %dma_start3A_73 = arith.constant 0 : i32
      %dma_start3A_74 = arith.constant 0 : i32
      %dma_start3A_75 = tpu.memref_slice %arg5[%run_scoped3A_31, %dma_start3A_73, %dma_start3A_74] : memref<25x8x128xi32, #tpu.memory_space<vmem>> -> memref<1x8x128xi32, #tpu.memory_space<vmem>>
      %dma_start3A_76 = tpu.memref_squeeze %dma_start3A_75 : memref<1x8x128xi32, #tpu.memory_space<vmem>> -> memref<8x128xi32, #tpu.memory_space<vmem>>
      %dma_start3A_77 = arith.constant 0 : i32
      %dma_start3A_78 = arith.constant 0 : i32
      %dma_start3A_79 = tpu.memref_slice %arg2[%run_scoped3A_30, %add3A, %dma_start3A_77, %dma_start3A_78] : memref<25x32x8x128xi32, #tpu.memory_space<hbm>> -> memref<1x1x8x128xi32, #tpu.memory_space<hbm>>
      %dma_start3A_80 = tpu.memref_squeeze %dma_start3A_79 : memref<1x1x8x128xi32, #tpu.memory_space<hbm>> -> memref<8x128xi32, #tpu.memory_space<hbm>>
      %dma_start3A_81 = arith.constant 0 : i32
      %dma_start3A_82 = arith.constant 0 : i32
      %dma_start3A_83 = tpu.memref_slice %arg5[%run_scoped3A_31, %dma_start3A_81, %dma_start3A_82] : memref<25x8x128xi32, #tpu.memory_space<vmem>> -> memref<1x8x128xi32, #tpu.memory_space<vmem>>
      %dma_start3A_84 = tpu.memref_squeeze %dma_start3A_83 : memref<1x8x128xi32, #tpu.memory_space<vmem>> -> memref<8x128xi32, #tpu.memory_space<vmem>>
      %dma_start3A_85 = arith.constant 0 : i32
      %dma_start3A_86 = arith.constant 0 : i32
      %dma_start3A_87 = tpu.memref_slice %arg2[%run_scoped3A_30, %add3A, %dma_start3A_85, %dma_start3A_86] : memref<25x32x8x128xi32, #tpu.memory_space<hbm>> -> memref<1x1x8x128xi32, #tpu.memory_space<hbm>>
      %dma_start3A_88 = tpu.memref_squeeze %dma_start3A_87 : memref<1x1x8x128xi32, #tpu.memory_space<hbm>> -> memref<8x128xi32, #tpu.memory_space<hbm>>
      tpu.enqueue_dma source(%dma_start3A_88 : memref<8x128xi32, #tpu.memory_space<hbm>>) target(%dma_start3A_84 : memref<8x128xi32, #tpu.memory_space<vmem>>) target_semaphore(%run_scoped3A_72 : memref<!tpu.dma_semaphore, #tpu.memory_space<semaphore_mem>>)
      %dma_wait3A_89 = arith.constant 0 : i32
      %dma_wait3A_90 = arith.constant 0 : i32
      %dma_wait3A_91 = tpu.memref_slice %arg5[%run_scoped3A_31, %dma_wait3A_89, %dma_wait3A_90] : memref<25x8x128xi32, #tpu.memory_space<vmem>> -> memref<1x8x128xi32, #tpu.memory_space<vmem>>
      %dma_wait3A_92 = tpu.memref_squeeze %dma_wait3A_91 : memref<1x8x128xi32, #tpu.memory_space<vmem>> -> memref<8x128xi32, #tpu.memory_space<vmem>>
      %dma_wait3A_93 = arith.constant 0 : i32
      %dma_wait3A_94 = arith.constant 0 : i32
      %dma_wait3A_95 = tpu.memref_slice %arg2[%run_scoped3A_30, %add3A, %dma_wait3A_93, %dma_wait3A_94] : memref<25x32x8x128xi32, #tpu.memory_space<hbm>> -> memref<1x1x8x128xi32, #tpu.memory_space<hbm>>
      %dma_wait3A_96 = tpu.memref_squeeze %dma_wait3A_95 : memref<1x1x8x128xi32, #tpu.memory_space<hbm>> -> memref<8x128xi32, #tpu.memory_space<hbm>>
      %dma_wait3A_97 = arith.constant 0 : i32
      %dma_wait3A_98 = arith.constant 0 : i32
      %dma_wait3A_99 = tpu.memref_slice %arg5[%run_scoped3A_31, %dma_wait3A_97, %dma_wait3A_98] : memref<25x8x128xi32, #tpu.memory_space<vmem>> -> memref<1x8x128xi32, #tpu.memory_space<vmem>>
      %dma_wait3A_100 = tpu.memref_squeeze %dma_wait3A_99 : memref<1x8x128xi32, #tpu.memory_space<vmem>> -> memref<8x128xi32, #tpu.memory_space<vmem>>
      %dma_wait3A_101 = arith.constant 0 : i32
      %dma_wait3A_102 = arith.constant 0 : i32
      %dma_wait3A_103 = tpu.memref_slice %arg2[%run_scoped3A_30, %add3A, %dma_wait3A_101, %dma_wait3A_102] : memref<25x32x8x128xi32, #tpu.memory_space<hbm>> -> memref<1x1x8x128xi32, #tpu.memory_space<hbm>>
      %dma_wait3A_104 = tpu.memref_squeeze %dma_wait3A_103 : memref<1x1x8x128xi32, #tpu.memory_space<hbm>> -> memref<8x128xi32, #tpu.memory_space<hbm>>
      tpu.wait_dma2 semaphore(%run_scoped3A_72 : memref<!tpu.dma_semaphore, #tpu.memory_space<semaphore_mem>>) src(%dma_wait3A_104 : memref<8x128xi32, #tpu.memory_space<hbm>>) dst(%dma_wait3A_100 : memref<8x128xi32, #tpu.memory_space<vmem>>)
      tpu.yield
    }) : () -> ()
    %run_scoped3A_32 = arith.constant 16 : i32
    %run_scoped3A_33 = arith.constant 16 : i32
    "tpu.region"() ({
      %run_scoped3A_72 = tpu.sem_alloc : memref<!tpu.dma_semaphore, #tpu.memory_space<semaphore_mem>>
      %dma_start3A_73 = arith.constant 0 : i32
      %dma_start3A_74 = arith.constant 0 : i32
      %dma_start3A_75 = tpu.memref_slice %arg5[%run_scoped3A_33, %dma_start3A_73, %dma_start3A_74] : memref<25x8x128xi32, #tpu.memory_space<vmem>> -> memref<1x8x128xi32, #tpu.memory_space<vmem>>
      %dma_start3A_76 = tpu.memref_squeeze %dma_start3A_75 : memref<1x8x128xi32, #tpu.memory_space<vmem>> -> memref<8x128xi32, #tpu.memory_space<vmem>>
      %dma_start3A_77 = arith.constant 0 : i32
      %dma_start3A_78 = arith.constant 0 : i32
      %dma_start3A_79 = tpu.memref_slice %arg2[%run_scoped3A_32, %add3A, %dma_start3A_77, %dma_start3A_78] : memref<25x32x8x128xi32, #tpu.memory_space<hbm>> -> memref<1x1x8x128xi32, #tpu.memory_space<hbm>>
      %dma_start3A_80 = tpu.memref_squeeze %dma_start3A_79 : memref<1x1x8x128xi32, #tpu.memory_space<hbm>> -> memref<8x128xi32, #tpu.memory_space<hbm>>
      %dma_start3A_81 = arith.constant 0 : i32
      %dma_start3A_82 = arith.constant 0 : i32
      %dma_start3A_83 = tpu.memref_slice %arg5[%run_scoped3A_33, %dma_start3A_81, %dma_start3A_82] : memref<25x8x128xi32, #tpu.memory_space<vmem>> -> memref<1x8x128xi32, #tpu.memory_space<vmem>>
      %dma_start3A_84 = tpu.memref_squeeze %dma_start3A_83 : memref<1x8x128xi32, #tpu.memory_space<vmem>> -> memref<8x128xi32, #tpu.memory_space<vmem>>
      %dma_start3A_85 = arith.constant 0 : i32
      %dma_start3A_86 = arith.constant 0 : i32
      %dma_start3A_87 = tpu.memref_slice %arg2[%run_scoped3A_32, %add3A, %dma_start3A_85, %dma_start3A_86] : memref<25x32x8x128xi32, #tpu.memory_space<hbm>> -> memref<1x1x8x128xi32, #tpu.memory_space<hbm>>
      %dma_start3A_88 = tpu.memref_squeeze %dma_start3A_87 : memref<1x1x8x128xi32, #tpu.memory_space<hbm>> -> memref<8x128xi32, #tpu.memory_space<hbm>>
      tpu.enqueue_dma source(%dma_start3A_88 : memref<8x128xi32, #tpu.memory_space<hbm>>) target(%dma_start3A_84 : memref<8x128xi32, #tpu.memory_space<vmem>>) target_semaphore(%run_scoped3A_72 : memref<!tpu.dma_semaphore, #tpu.memory_space<semaphore_mem>>)
      %dma_wait3A_89 = arith.constant 0 : i32
      %dma_wait3A_90 = arith.constant 0 : i32
      %dma_wait3A_91 = tpu.memref_slice %arg5[%run_scoped3A_33, %dma_wait3A_89, %dma_wait3A_90] : memref<25x8x128xi32, #tpu.memory_space<vmem>> -> memref<1x8x128xi32, #tpu.memory_space<vmem>>
      %dma_wait3A_92 = tpu.memref_squeeze %dma_wait3A_91 : memref<1x8x128xi32, #tpu.memory_space<vmem>> -> memref<8x128xi32, #tpu.memory_space<vmem>>
      %dma_wait3A_93 = arith.constant 0 : i32
      %dma_wait3A_94 = arith.constant 0 : i32
      %dma_wait3A_95 = tpu.memref_slice %arg2[%run_scoped3A_32, %add3A, %dma_wait3A_93, %dma_wait3A_94] : memref<25x32x8x128xi32, #tpu.memory_space<hbm>> -> memref<1x1x8x128xi32, #tpu.memory_space<hbm>>
      %dma_wait3A_96 = tpu.memref_squeeze %dma_wait3A_95 : memref<1x1x8x128xi32, #tpu.memory_space<hbm>> -> memref<8x128xi32, #tpu.memory_space<hbm>>
      %dma_wait3A_97 = arith.constant 0 : i32
      %dma_wait3A_98 = arith.constant 0 : i32
      %dma_wait3A_99 = tpu.memref_slice %arg5[%run_scoped3A_33, %dma_wait3A_97, %dma_wait3A_98] : memref<25x8x128xi32, #tpu.memory_space<vmem>> -> memref<1x8x128xi32, #tpu.memory_space<vmem>>
      %dma_wait3A_100 = tpu.memref_squeeze %dma_wait3A_99 : memref<1x8x128xi32, #tpu.memory_space<vmem>> -> memref<8x128xi32, #tpu.memory_space<vmem>>
      %dma_wait3A_101 = arith.constant 0 : i32
      %dma_wait3A_102 = arith.constant 0 : i32
      %dma_wait3A_103 = tpu.memref_slice %arg2[%run_scoped3A_32, %add3A, %dma_wait3A_101, %dma_wait3A_102] : memref<25x32x8x128xi32, #tpu.memory_space<hbm>> -> memref<1x1x8x128xi32, #tpu.memory_space<hbm>>
      %dma_wait3A_104 = tpu.memref_squeeze %dma_wait3A_103 : memref<1x1x8x128xi32, #tpu.memory_space<hbm>> -> memref<8x128xi32, #tpu.memory_space<hbm>>
      tpu.wait_dma2 semaphore(%run_scoped3A_72 : memref<!tpu.dma_semaphore, #tpu.memory_space<semaphore_mem>>) src(%dma_wait3A_104 : memref<8x128xi32, #tpu.memory_space<hbm>>) dst(%dma_wait3A_100 : memref<8x128xi32, #tpu.memory_space<vmem>>)
      tpu.yield
    }) : () -> ()
    %run_scoped3A_34 = arith.constant 17 : i32
    %run_scoped3A_35 = arith.constant 17 : i32
    "tpu.region"() ({
      %run_scoped3A_72 = tpu.sem_alloc : memref<!tpu.dma_semaphore, #tpu.memory_space<semaphore_mem>>
      %dma_start3A_73 = arith.constant 0 : i32
      %dma_start3A_74 = arith.constant 0 : i32
      %dma_start3A_75 = tpu.memref_slice %arg5[%run_scoped3A_35, %dma_start3A_73, %dma_start3A_74] : memref<25x8x128xi32, #tpu.memory_space<vmem>> -> memref<1x8x128xi32, #tpu.memory_space<vmem>>
      %dma_start3A_76 = tpu.memref_squeeze %dma_start3A_75 : memref<1x8x128xi32, #tpu.memory_space<vmem>> -> memref<8x128xi32, #tpu.memory_space<vmem>>
      %dma_start3A_77 = arith.constant 0 : i32
      %dma_start3A_78 = arith.constant 0 : i32
      %dma_start3A_79 = tpu.memref_slice %arg2[%run_scoped3A_34, %add3A, %dma_start3A_77, %dma_start3A_78] : memref<25x32x8x128xi32, #tpu.memory_space<hbm>> -> memref<1x1x8x128xi32, #tpu.memory_space<hbm>>
      %dma_start3A_80 = tpu.memref_squeeze %dma_start3A_79 : memref<1x1x8x128xi32, #tpu.memory_space<hbm>> -> memref<8x128xi32, #tpu.memory_space<hbm>>
      %dma_start3A_81 = arith.constant 0 : i32
      %dma_start3A_82 = arith.constant 0 : i32
      %dma_start3A_83 = tpu.memref_slice %arg5[%run_scoped3A_35, %dma_start3A_81, %dma_start3A_82] : memref<25x8x128xi32, #tpu.memory_space<vmem>> -> memref<1x8x128xi32, #tpu.memory_space<vmem>>
      %dma_start3A_84 = tpu.memref_squeeze %dma_start3A_83 : memref<1x8x128xi32, #tpu.memory_space<vmem>> -> memref<8x128xi32, #tpu.memory_space<vmem>>
      %dma_start3A_85 = arith.constant 0 : i32
      %dma_start3A_86 = arith.constant 0 : i32
      %dma_start3A_87 = tpu.memref_slice %arg2[%run_scoped3A_34, %add3A, %dma_start3A_85, %dma_start3A_86] : memref<25x32x8x128xi32, #tpu.memory_space<hbm>> -> memref<1x1x8x128xi32, #tpu.memory_space<hbm>>
      %dma_start3A_88 = tpu.memref_squeeze %dma_start3A_87 : memref<1x1x8x128xi32, #tpu.memory_space<hbm>> -> memref<8x128xi32, #tpu.memory_space<hbm>>
      tpu.enqueue_dma source(%dma_start3A_88 : memref<8x128xi32, #tpu.memory_space<hbm>>) target(%dma_start3A_84 : memref<8x128xi32, #tpu.memory_space<vmem>>) target_semaphore(%run_scoped3A_72 : memref<!tpu.dma_semaphore, #tpu.memory_space<semaphore_mem>>)
      %dma_wait3A_89 = arith.constant 0 : i32
      %dma_wait3A_90 = arith.constant 0 : i32
      %dma_wait3A_91 = tpu.memref_slice %arg5[%run_scoped3A_35, %dma_wait3A_89, %dma_wait3A_90] : memref<25x8x128xi32, #tpu.memory_space<vmem>> -> memref<1x8x128xi32, #tpu.memory_space<vmem>>
      %dma_wait3A_92 = tpu.memref_squeeze %dma_wait3A_91 : memref<1x8x128xi32, #tpu.memory_space<vmem>> -> memref<8x128xi32, #tpu.memory_space<vmem>>
      %dma_wait3A_93 = arith.constant 0 : i32
      %dma_wait3A_94 = arith.constant 0 : i32
      %dma_wait3A_95 = tpu.memref_slice %arg2[%run_scoped3A_34, %add3A, %dma_wait3A_93, %dma_wait3A_94] : memref<25x32x8x128xi32, #tpu.memory_space<hbm>> -> memref<1x1x8x128xi32, #tpu.memory_space<hbm>>
      %dma_wait3A_96 = tpu.memref_squeeze %dma_wait3A_95 : memref<1x1x8x128xi32, #tpu.memory_space<hbm>> -> memref<8x128xi32, #tpu.memory_space<hbm>>
      %dma_wait3A_97 = arith.constant 0 : i32
      %dma_wait3A_98 = arith.constant 0 : i32
      %dma_wait3A_99 = tpu.memref_slice %arg5[%run_scoped3A_35, %dma_wait3A_97, %dma_wait3A_98] : memref<25x8x128xi32, #tpu.memory_space<vmem>> -> memref<1x8x128xi32, #tpu.memory_space<vmem>>
      %dma_wait3A_100 = tpu.memref_squeeze %dma_wait3A_99 : memref<1x8x128xi32, #tpu.memory_space<vmem>> -> memref<8x128xi32, #tpu.memory_space<vmem>>
      %dma_wait3A_101 = arith.constant 0 : i32
      %dma_wait3A_102 = arith.constant 0 : i32
      %dma_wait3A_103 = tpu.memref_slice %arg2[%run_scoped3A_34, %add3A, %dma_wait3A_101, %dma_wait3A_102] : memref<25x32x8x128xi32, #tpu.memory_space<hbm>> -> memref<1x1x8x128xi32, #tpu.memory_space<hbm>>
      %dma_wait3A_104 = tpu.memref_squeeze %dma_wait3A_103 : memref<1x1x8x128xi32, #tpu.memory_space<hbm>> -> memref<8x128xi32, #tpu.memory_space<hbm>>
      tpu.wait_dma2 semaphore(%run_scoped3A_72 : memref<!tpu.dma_semaphore, #tpu.memory_space<semaphore_mem>>) src(%dma_wait3A_104 : memref<8x128xi32, #tpu.memory_space<hbm>>) dst(%dma_wait3A_100 : memref<8x128xi32, #tpu.memory_space<vmem>>)
      tpu.yield
    }) : () -> ()
    %run_scoped3A_36 = arith.constant 18 : i32
    %run_scoped3A_37 = arith.constant 18 : i32
    "tpu.region"() ({
      %run_scoped3A_72 = tpu.sem_alloc : memref<!tpu.dma_semaphore, #tpu.memory_space<semaphore_mem>>
      %dma_start3A_73 = arith.constant 0 : i32
      %dma_start3A_74 = arith.constant 0 : i32
      %dma_start3A_75 = tpu.memref_slice %arg5[%run_scoped3A_37, %dma_start3A_73, %dma_start3A_74] : memref<25x8x128xi32, #tpu.memory_space<vmem>> -> memref<1x8x128xi32, #tpu.memory_space<vmem>>
      %dma_start3A_76 = tpu.memref_squeeze %dma_start3A_75 : memref<1x8x128xi32, #tpu.memory_space<vmem>> -> memref<8x128xi32, #tpu.memory_space<vmem>>
      %dma_start3A_77 = arith.constant 0 : i32
      %dma_start3A_78 = arith.constant 0 : i32
      %dma_start3A_79 = tpu.memref_slice %arg2[%run_scoped3A_36, %add3A, %dma_start3A_77, %dma_start3A_78] : memref<25x32x8x128xi32, #tpu.memory_space<hbm>> -> memref<1x1x8x128xi32, #tpu.memory_space<hbm>>
      %dma_start3A_80 = tpu.memref_squeeze %dma_start3A_79 : memref<1x1x8x128xi32, #tpu.memory_space<hbm>> -> memref<8x128xi32, #tpu.memory_space<hbm>>
      %dma_start3A_81 = arith.constant 0 : i32
      %dma_start3A_82 = arith.constant 0 : i32
      %dma_start3A_83 = tpu.memref_slice %arg5[%run_scoped3A_37, %dma_start3A_81, %dma_start3A_82] : memref<25x8x128xi32, #tpu.memory_space<vmem>> -> memref<1x8x128xi32, #tpu.memory_space<vmem>>
      %dma_start3A_84 = tpu.memref_squeeze %dma_start3A_83 : memref<1x8x128xi32, #tpu.memory_space<vmem>> -> memref<8x128xi32, #tpu.memory_space<vmem>>
      %dma_start3A_85 = arith.constant 0 : i32
      %dma_start3A_86 = arith.constant 0 : i32
      %dma_start3A_87 = tpu.memref_slice %arg2[%run_scoped3A_36, %add3A, %dma_start3A_85, %dma_start3A_86] : memref<25x32x8x128xi32, #tpu.memory_space<hbm>> -> memref<1x1x8x128xi32, #tpu.memory_space<hbm>>
      %dma_start3A_88 = tpu.memref_squeeze %dma_start3A_87 : memref<1x1x8x128xi32, #tpu.memory_space<hbm>> -> memref<8x128xi32, #tpu.memory_space<hbm>>
      tpu.enqueue_dma source(%dma_start3A_88 : memref<8x128xi32, #tpu.memory_space<hbm>>) target(%dma_start3A_84 : memref<8x128xi32, #tpu.memory_space<vmem>>) target_semaphore(%run_scoped3A_72 : memref<!tpu.dma_semaphore, #tpu.memory_space<semaphore_mem>>)
      %dma_wait3A_89 = arith.constant 0 : i32
      %dma_wait3A_90 = arith.constant 0 : i32
      %dma_wait3A_91 = tpu.memref_slice %arg5[%run_scoped3A_37, %dma_wait3A_89, %dma_wait3A_90] : memref<25x8x128xi32, #tpu.memory_space<vmem>> -> memref<1x8x128xi32, #tpu.memory_space<vmem>>
      %dma_wait3A_92 = tpu.memref_squeeze %dma_wait3A_91 : memref<1x8x128xi32, #tpu.memory_space<vmem>> -> memref<8x128xi32, #tpu.memory_space<vmem>>
      %dma_wait3A_93 = arith.constant 0 : i32
      %dma_wait3A_94 = arith.constant 0 : i32
      %dma_wait3A_95 = tpu.memref_slice %arg2[%run_scoped3A_36, %add3A, %dma_wait3A_93, %dma_wait3A_94] : memref<25x32x8x128xi32, #tpu.memory_space<hbm>> -> memref<1x1x8x128xi32, #tpu.memory_space<hbm>>
      %dma_wait3A_96 = tpu.memref_squeeze %dma_wait3A_95 : memref<1x1x8x128xi32, #tpu.memory_space<hbm>> -> memref<8x128xi32, #tpu.memory_space<hbm>>
      %dma_wait3A_97 = arith.constant 0 : i32
      %dma_wait3A_98 = arith.constant 0 : i32
      %dma_wait3A_99 = tpu.memref_slice %arg5[%run_scoped3A_37, %dma_wait3A_97, %dma_wait3A_98] : memref<25x8x128xi32, #tpu.memory_space<vmem>> -> memref<1x8x128xi32, #tpu.memory_space<vmem>>
      %dma_wait3A_100 = tpu.memref_squeeze %dma_wait3A_99 : memref<1x8x128xi32, #tpu.memory_space<vmem>> -> memref<8x128xi32, #tpu.memory_space<vmem>>
      %dma_wait3A_101 = arith.constant 0 : i32
      %dma_wait3A_102 = arith.constant 0 : i32
      %dma_wait3A_103 = tpu.memref_slice %arg2[%run_scoped3A_36, %add3A, %dma_wait3A_101, %dma_wait3A_102] : memref<25x32x8x128xi32, #tpu.memory_space<hbm>> -> memref<1x1x8x128xi32, #tpu.memory_space<hbm>>
      %dma_wait3A_104 = tpu.memref_squeeze %dma_wait3A_103 : memref<1x1x8x128xi32, #tpu.memory_space<hbm>> -> memref<8x128xi32, #tpu.memory_space<hbm>>
      tpu.wait_dma2 semaphore(%run_scoped3A_72 : memref<!tpu.dma_semaphore, #tpu.memory_space<semaphore_mem>>) src(%dma_wait3A_104 : memref<8x128xi32, #tpu.memory_space<hbm>>) dst(%dma_wait3A_100 : memref<8x128xi32, #tpu.memory_space<vmem>>)
      tpu.yield
    }) : () -> ()
    %run_scoped3A_38 = arith.constant 19 : i32
    %run_scoped3A_39 = arith.constant 19 : i32
    "tpu.region"() ({
      %run_scoped3A_72 = tpu.sem_alloc : memref<!tpu.dma_semaphore, #tpu.memory_space<semaphore_mem>>
      %dma_start3A_73 = arith.constant 0 : i32
      %dma_start3A_74 = arith.constant 0 : i32
      %dma_start3A_75 = tpu.memref_slice %arg5[%run_scoped3A_39, %dma_start3A_73, %dma_start3A_74] : memref<25x8x128xi32, #tpu.memory_space<vmem>> -> memref<1x8x128xi32, #tpu.memory_space<vmem>>
      %dma_start3A_76 = tpu.memref_squeeze %dma_start3A_75 : memref<1x8x128xi32, #tpu.memory_space<vmem>> -> memref<8x128xi32, #tpu.memory_space<vmem>>
      %dma_start3A_77 = arith.constant 0 : i32
      %dma_start3A_78 = arith.constant 0 : i32
      %dma_start3A_79 = tpu.memref_slice %arg2[%run_scoped3A_38, %add3A, %dma_start3A_77, %dma_start3A_78] : memref<25x32x8x128xi32, #tpu.memory_space<hbm>> -> memref<1x1x8x128xi32, #tpu.memory_space<hbm>>
      %dma_start3A_80 = tpu.memref_squeeze %dma_start3A_79 : memref<1x1x8x128xi32, #tpu.memory_space<hbm>> -> memref<8x128xi32, #tpu.memory_space<hbm>>
      %dma_start3A_81 = arith.constant 0 : i32
      %dma_start3A_82 = arith.constant 0 : i32
      %dma_start3A_83 = tpu.memref_slice %arg5[%run_scoped3A_39, %dma_start3A_81, %dma_start3A_82] : memref<25x8x128xi32, #tpu.memory_space<vmem>> -> memref<1x8x128xi32, #tpu.memory_space<vmem>>
      %dma_start3A_84 = tpu.memref_squeeze %dma_start3A_83 : memref<1x8x128xi32, #tpu.memory_space<vmem>> -> memref<8x128xi32, #tpu.memory_space<vmem>>
      %dma_start3A_85 = arith.constant 0 : i32
      %dma_start3A_86 = arith.constant 0 : i32
      %dma_start3A_87 = tpu.memref_slice %arg2[%run_scoped3A_38, %add3A, %dma_start3A_85, %dma_start3A_86] : memref<25x32x8x128xi32, #tpu.memory_space<hbm>> -> memref<1x1x8x128xi32, #tpu.memory_space<hbm>>
      %dma_start3A_88 = tpu.memref_squeeze %dma_start3A_87 : memref<1x1x8x128xi32, #tpu.memory_space<hbm>> -> memref<8x128xi32, #tpu.memory_space<hbm>>
      tpu.enqueue_dma source(%dma_start3A_88 : memref<8x128xi32, #tpu.memory_space<hbm>>) target(%dma_start3A_84 : memref<8x128xi32, #tpu.memory_space<vmem>>) target_semaphore(%run_scoped3A_72 : memref<!tpu.dma_semaphore, #tpu.memory_space<semaphore_mem>>)
      %dma_wait3A_89 = arith.constant 0 : i32
      %dma_wait3A_90 = arith.constant 0 : i32
      %dma_wait3A_91 = tpu.memref_slice %arg5[%run_scoped3A_39, %dma_wait3A_89, %dma_wait3A_90] : memref<25x8x128xi32, #tpu.memory_space<vmem>> -> memref<1x8x128xi32, #tpu.memory_space<vmem>>
      %dma_wait3A_92 = tpu.memref_squeeze %dma_wait3A_91 : memref<1x8x128xi32, #tpu.memory_space<vmem>> -> memref<8x128xi32, #tpu.memory_space<vmem>>
      %dma_wait3A_93 = arith.constant 0 : i32
      %dma_wait3A_94 = arith.constant 0 : i32
      %dma_wait3A_95 = tpu.memref_slice %arg2[%run_scoped3A_38, %add3A, %dma_wait3A_93, %dma_wait3A_94] : memref<25x32x8x128xi32, #tpu.memory_space<hbm>> -> memref<1x1x8x128xi32, #tpu.memory_space<hbm>>
      %dma_wait3A_96 = tpu.memref_squeeze %dma_wait3A_95 : memref<1x1x8x128xi32, #tpu.memory_space<hbm>> -> memref<8x128xi32, #tpu.memory_space<hbm>>
      %dma_wait3A_97 = arith.constant 0 : i32
      %dma_wait3A_98 = arith.constant 0 : i32
      %dma_wait3A_99 = tpu.memref_slice %arg5[%run_scoped3A_39, %dma_wait3A_97, %dma_wait3A_98] : memref<25x8x128xi32, #tpu.memory_space<vmem>> -> memref<1x8x128xi32, #tpu.memory_space<vmem>>
      %dma_wait3A_100 = tpu.memref_squeeze %dma_wait3A_99 : memref<1x8x128xi32, #tpu.memory_space<vmem>> -> memref<8x128xi32, #tpu.memory_space<vmem>>
      %dma_wait3A_101 = arith.constant 0 : i32
      %dma_wait3A_102 = arith.constant 0 : i32
      %dma_wait3A_103 = tpu.memref_slice %arg2[%run_scoped3A_38, %add3A, %dma_wait3A_101, %dma_wait3A_102] : memref<25x32x8x128xi32, #tpu.memory_space<hbm>> -> memref<1x1x8x128xi32, #tpu.memory_space<hbm>>
      %dma_wait3A_104 = tpu.memref_squeeze %dma_wait3A_103 : memref<1x1x8x128xi32, #tpu.memory_space<hbm>> -> memref<8x128xi32, #tpu.memory_space<hbm>>
      tpu.wait_dma2 semaphore(%run_scoped3A_72 : memref<!tpu.dma_semaphore, #tpu.memory_space<semaphore_mem>>) src(%dma_wait3A_104 : memref<8x128xi32, #tpu.memory_space<hbm>>) dst(%dma_wait3A_100 : memref<8x128xi32, #tpu.memory_space<vmem>>)
      tpu.yield
    }) : () -> ()
    %run_scoped3A_40 = arith.constant 20 : i32
    %run_scoped3A_41 = arith.constant 20 : i32
    "tpu.region"() ({
      %run_scoped3A_72 = tpu.sem_alloc : memref<!tpu.dma_semaphore, #tpu.memory_space<semaphore_mem>>
      %dma_start3A_73 = arith.constant 0 : i32
      %dma_start3A_74 = arith.constant 0 : i32
      %dma_start3A_75 = tpu.memref_slice %arg5[%run_scoped3A_41, %dma_start3A_73, %dma_start3A_74] : memref<25x8x128xi32, #tpu.memory_space<vmem>> -> memref<1x8x128xi32, #tpu.memory_space<vmem>>
      %dma_start3A_76 = tpu.memref_squeeze %dma_start3A_75 : memref<1x8x128xi32, #tpu.memory_space<vmem>> -> memref<8x128xi32, #tpu.memory_space<vmem>>
      %dma_start3A_77 = arith.constant 0 : i32
      %dma_start3A_78 = arith.constant 0 : i32
      %dma_start3A_79 = tpu.memref_slice %arg2[%run_scoped3A_40, %add3A, %dma_start3A_77, %dma_start3A_78] : memref<25x32x8x128xi32, #tpu.memory_space<hbm>> -> memref<1x1x8x128xi32, #tpu.memory_space<hbm>>
      %dma_start3A_80 = tpu.memref_squeeze %dma_start3A_79 : memref<1x1x8x128xi32, #tpu.memory_space<hbm>> -> memref<8x128xi32, #tpu.memory_space<hbm>>
      %dma_start3A_81 = arith.constant 0 : i32
      %dma_start3A_82 = arith.constant 0 : i32
      %dma_start3A_83 = tpu.memref_slice %arg5[%run_scoped3A_41, %dma_start3A_81, %dma_start3A_82] : memref<25x8x128xi32, #tpu.memory_space<vmem>> -> memref<1x8x128xi32, #tpu.memory_space<vmem>>
      %dma_start3A_84 = tpu.memref_squeeze %dma_start3A_83 : memref<1x8x128xi32, #tpu.memory_space<vmem>> -> memref<8x128xi32, #tpu.memory_space<vmem>>
      %dma_start3A_85 = arith.constant 0 : i32
      %dma_start3A_86 = arith.constant 0 : i32
      %dma_start3A_87 = tpu.memref_slice %arg2[%run_scoped3A_40, %add3A, %dma_start3A_85, %dma_start3A_86] : memref<25x32x8x128xi32, #tpu.memory_space<hbm>> -> memref<1x1x8x128xi32, #tpu.memory_space<hbm>>
      %dma_start3A_88 = tpu.memref_squeeze %dma_start3A_87 : memref<1x1x8x128xi32, #tpu.memory_space<hbm>> -> memref<8x128xi32, #tpu.memory_space<hbm>>
      tpu.enqueue_dma source(%dma_start3A_88 : memref<8x128xi32, #tpu.memory_space<hbm>>) target(%dma_start3A_84 : memref<8x128xi32, #tpu.memory_space<vmem>>) target_semaphore(%run_scoped3A_72 : memref<!tpu.dma_semaphore, #tpu.memory_space<semaphore_mem>>)
      %dma_wait3A_89 = arith.constant 0 : i32
      %dma_wait3A_90 = arith.constant 0 : i32
      %dma_wait3A_91 = tpu.memref_slice %arg5[%run_scoped3A_41, %dma_wait3A_89, %dma_wait3A_90] : memref<25x8x128xi32, #tpu.memory_space<vmem>> -> memref<1x8x128xi32, #tpu.memory_space<vmem>>
      %dma_wait3A_92 = tpu.memref_squeeze %dma_wait3A_91 : memref<1x8x128xi32, #tpu.memory_space<vmem>> -> memref<8x128xi32, #tpu.memory_space<vmem>>
      %dma_wait3A_93 = arith.constant 0 : i32
      %dma_wait3A_94 = arith.constant 0 : i32
      %dma_wait3A_95 = tpu.memref_slice %arg2[%run_scoped3A_40, %add3A, %dma_wait3A_93, %dma_wait3A_94] : memref<25x32x8x128xi32, #tpu.memory_space<hbm>> -> memref<1x1x8x128xi32, #tpu.memory_space<hbm>>
      %dma_wait3A_96 = tpu.memref_squeeze %dma_wait3A_95 : memref<1x1x8x128xi32, #tpu.memory_space<hbm>> -> memref<8x128xi32, #tpu.memory_space<hbm>>
      %dma_wait3A_97 = arith.constant 0 : i32
      %dma_wait3A_98 = arith.constant 0 : i32
      %dma_wait3A_99 = tpu.memref_slice %arg5[%run_scoped3A_41, %dma_wait3A_97, %dma_wait3A_98] : memref<25x8x128xi32, #tpu.memory_space<vmem>> -> memref<1x8x128xi32, #tpu.memory_space<vmem>>
      %dma_wait3A_100 = tpu.memref_squeeze %dma_wait3A_99 : memref<1x8x128xi32, #tpu.memory_space<vmem>> -> memref<8x128xi32, #tpu.memory_space<vmem>>
      %dma_wait3A_101 = arith.constant 0 : i32
      %dma_wait3A_102 = arith.constant 0 : i32
      %dma_wait3A_103 = tpu.memref_slice %arg2[%run_scoped3A_40, %add3A, %dma_wait3A_101, %dma_wait3A_102] : memref<25x32x8x128xi32, #tpu.memory_space<hbm>> -> memref<1x1x8x128xi32, #tpu.memory_space<hbm>>
      %dma_wait3A_104 = tpu.memref_squeeze %dma_wait3A_103 : memref<1x1x8x128xi32, #tpu.memory_space<hbm>> -> memref<8x128xi32, #tpu.memory_space<hbm>>
      tpu.wait_dma2 semaphore(%run_scoped3A_72 : memref<!tpu.dma_semaphore, #tpu.memory_space<semaphore_mem>>) src(%dma_wait3A_104 : memref<8x128xi32, #tpu.memory_space<hbm>>) dst(%dma_wait3A_100 : memref<8x128xi32, #tpu.memory_space<vmem>>)
      tpu.yield
    }) : () -> ()
    %run_scoped3A_42 = arith.constant 21 : i32
    %run_scoped3A_43 = arith.constant 21 : i32
    "tpu.region"() ({
      %run_scoped3A_72 = tpu.sem_alloc : memref<!tpu.dma_semaphore, #tpu.memory_space<semaphore_mem>>
      %dma_start3A_73 = arith.constant 0 : i32
      %dma_start3A_74 = arith.constant 0 : i32
      %dma_start3A_75 = tpu.memref_slice %arg5[%run_scoped3A_43, %dma_start3A_73, %dma_start3A_74] : memref<25x8x128xi32, #tpu.memory_space<vmem>> -> memref<1x8x128xi32, #tpu.memory_space<vmem>>
      %dma_start3A_76 = tpu.memref_squeeze %dma_start3A_75 : memref<1x8x128xi32, #tpu.memory_space<vmem>> -> memref<8x128xi32, #tpu.memory_space<vmem>>
      %dma_start3A_77 = arith.constant 0 : i32
      %dma_start3A_78 = arith.constant 0 : i32
      %dma_start3A_79 = tpu.memref_slice %arg2[%run_scoped3A_42, %add3A, %dma_start3A_77, %dma_start3A_78] : memref<25x32x8x128xi32, #tpu.memory_space<hbm>> -> memref<1x1x8x128xi32, #tpu.memory_space<hbm>>
      %dma_start3A_80 = tpu.memref_squeeze %dma_start3A_79 : memref<1x1x8x128xi32, #tpu.memory_space<hbm>> -> memref<8x128xi32, #tpu.memory_space<hbm>>
      %dma_start3A_81 = arith.constant 0 : i32
      %dma_start3A_82 = arith.constant 0 : i32
      %dma_start3A_83 = tpu.memref_slice %arg5[%run_scoped3A_43, %dma_start3A_81, %dma_start3A_82] : memref<25x8x128xi32, #tpu.memory_space<vmem>> -> memref<1x8x128xi32, #tpu.memory_space<vmem>>
      %dma_start3A_84 = tpu.memref_squeeze %dma_start3A_83 : memref<1x8x128xi32, #tpu.memory_space<vmem>> -> memref<8x128xi32, #tpu.memory_space<vmem>>
      %dma_start3A_85 = arith.constant 0 : i32
      %dma_start3A_86 = arith.constant 0 : i32
      %dma_start3A_87 = tpu.memref_slice %arg2[%run_scoped3A_42, %add3A, %dma_start3A_85, %dma_start3A_86] : memref<25x32x8x128xi32, #tpu.memory_space<hbm>> -> memref<1x1x8x128xi32, #tpu.memory_space<hbm>>
      %dma_start3A_88 = tpu.memref_squeeze %dma_start3A_87 : memref<1x1x8x128xi32, #tpu.memory_space<hbm>> -> memref<8x128xi32, #tpu.memory_space<hbm>>
      tpu.enqueue_dma source(%dma_start3A_88 : memref<8x128xi32, #tpu.memory_space<hbm>>) target(%dma_start3A_84 : memref<8x128xi32, #tpu.memory_space<vmem>>) target_semaphore(%run_scoped3A_72 : memref<!tpu.dma_semaphore, #tpu.memory_space<semaphore_mem>>)
      %dma_wait3A_89 = arith.constant 0 : i32
      %dma_wait3A_90 = arith.constant 0 : i32
      %dma_wait3A_91 = tpu.memref_slice %arg5[%run_scoped3A_43, %dma_wait3A_89, %dma_wait3A_90] : memref<25x8x128xi32, #tpu.memory_space<vmem>> -> memref<1x8x128xi32, #tpu.memory_space<vmem>>
      %dma_wait3A_92 = tpu.memref_squeeze %dma_wait3A_91 : memref<1x8x128xi32, #tpu.memory_space<vmem>> -> memref<8x128xi32, #tpu.memory_space<vmem>>
      %dma_wait3A_93 = arith.constant 0 : i32
      %dma_wait3A_94 = arith.constant 0 : i32
      %dma_wait3A_95 = tpu.memref_slice %arg2[%run_scoped3A_42, %add3A, %dma_wait3A_93, %dma_wait3A_94] : memref<25x32x8x128xi32, #tpu.memory_space<hbm>> -> memref<1x1x8x128xi32, #tpu.memory_space<hbm>>
      %dma_wait3A_96 = tpu.memref_squeeze %dma_wait3A_95 : memref<1x1x8x128xi32, #tpu.memory_space<hbm>> -> memref<8x128xi32, #tpu.memory_space<hbm>>
      %dma_wait3A_97 = arith.constant 0 : i32
      %dma_wait3A_98 = arith.constant 0 : i32
      %dma_wait3A_99 = tpu.memref_slice %arg5[%run_scoped3A_43, %dma_wait3A_97, %dma_wait3A_98] : memref<25x8x128xi32, #tpu.memory_space<vmem>> -> memref<1x8x128xi32, #tpu.memory_space<vmem>>
      %dma_wait3A_100 = tpu.memref_squeeze %dma_wait3A_99 : memref<1x8x128xi32, #tpu.memory_space<vmem>> -> memref<8x128xi32, #tpu.memory_space<vmem>>
      %dma_wait3A_101 = arith.constant 0 : i32
      %dma_wait3A_102 = arith.constant 0 : i32
      %dma_wait3A_103 = tpu.memref_slice %arg2[%run_scoped3A_42, %add3A, %dma_wait3A_101, %dma_wait3A_102] : memref<25x32x8x128xi32, #tpu.memory_space<hbm>> -> memref<1x1x8x128xi32, #tpu.memory_space<hbm>>
      %dma_wait3A_104 = tpu.memref_squeeze %dma_wait3A_103 : memref<1x1x8x128xi32, #tpu.memory_space<hbm>> -> memref<8x128xi32, #tpu.memory_space<hbm>>
      tpu.wait_dma2 semaphore(%run_scoped3A_72 : memref<!tpu.dma_semaphore, #tpu.memory_space<semaphore_mem>>) src(%dma_wait3A_104 : memref<8x128xi32, #tpu.memory_space<hbm>>) dst(%dma_wait3A_100 : memref<8x128xi32, #tpu.memory_space<vmem>>)
      tpu.yield
    }) : () -> ()
    %run_scoped3A_44 = arith.constant 22 : i32
    %run_scoped3A_45 = arith.constant 22 : i32
    "tpu.region"() ({
      %run_scoped3A_72 = tpu.sem_alloc : memref<!tpu.dma_semaphore, #tpu.memory_space<semaphore_mem>>
      %dma_start3A_73 = arith.constant 0 : i32
      %dma_start3A_74 = arith.constant 0 : i32
      %dma_start3A_75 = tpu.memref_slice %arg5[%run_scoped3A_45, %dma_start3A_73, %dma_start3A_74] : memref<25x8x128xi32, #tpu.memory_space<vmem>> -> memref<1x8x128xi32, #tpu.memory_space<vmem>>
      %dma_start3A_76 = tpu.memref_squeeze %dma_start3A_75 : memref<1x8x128xi32, #tpu.memory_space<vmem>> -> memref<8x128xi32, #tpu.memory_space<vmem>>
      %dma_start3A_77 = arith.constant 0 : i32
      %dma_start3A_78 = arith.constant 0 : i32
      %dma_start3A_79 = tpu.memref_slice %arg2[%run_scoped3A_44, %add3A, %dma_start3A_77, %dma_start3A_78] : memref<25x32x8x128xi32, #tpu.memory_space<hbm>> -> memref<1x1x8x128xi32, #tpu.memory_space<hbm>>
      %dma_start3A_80 = tpu.memref_squeeze %dma_start3A_79 : memref<1x1x8x128xi32, #tpu.memory_space<hbm>> -> memref<8x128xi32, #tpu.memory_space<hbm>>
      %dma_start3A_81 = arith.constant 0 : i32
      %dma_start3A_82 = arith.constant 0 : i32
      %dma_start3A_83 = tpu.memref_slice %arg5[%run_scoped3A_45, %dma_start3A_81, %dma_start3A_82] : memref<25x8x128xi32, #tpu.memory_space<vmem>> -> memref<1x8x128xi32, #tpu.memory_space<vmem>>
      %dma_start3A_84 = tpu.memref_squeeze %dma_start3A_83 : memref<1x8x128xi32, #tpu.memory_space<vmem>> -> memref<8x128xi32, #tpu.memory_space<vmem>>
      %dma_start3A_85 = arith.constant 0 : i32
      %dma_start3A_86 = arith.constant 0 : i32
      %dma_start3A_87 = tpu.memref_slice %arg2[%run_scoped3A_44, %add3A, %dma_start3A_85, %dma_start3A_86] : memref<25x32x8x128xi32, #tpu.memory_space<hbm>> -> memref<1x1x8x128xi32, #tpu.memory_space<hbm>>
      %dma_start3A_88 = tpu.memref_squeeze %dma_start3A_87 : memref<1x1x8x128xi32, #tpu.memory_space<hbm>> -> memref<8x128xi32, #tpu.memory_space<hbm>>
      tpu.enqueue_dma source(%dma_start3A_88 : memref<8x128xi32, #tpu.memory_space<hbm>>) target(%dma_start3A_84 : memref<8x128xi32, #tpu.memory_space<vmem>>) target_semaphore(%run_scoped3A_72 : memref<!tpu.dma_semaphore, #tpu.memory_space<semaphore_mem>>)
      %dma_wait3A_89 = arith.constant 0 : i32
      %dma_wait3A_90 = arith.constant 0 : i32
      %dma_wait3A_91 = tpu.memref_slice %arg5[%run_scoped3A_45, %dma_wait3A_89, %dma_wait3A_90] : memref<25x8x128xi32, #tpu.memory_space<vmem>> -> memref<1x8x128xi32, #tpu.memory_space<vmem>>
      %dma_wait3A_92 = tpu.memref_squeeze %dma_wait3A_91 : memref<1x8x128xi32, #tpu.memory_space<vmem>> -> memref<8x128xi32, #tpu.memory_space<vmem>>
      %dma_wait3A_93 = arith.constant 0 : i32
      %dma_wait3A_94 = arith.constant 0 : i32
      %dma_wait3A_95 = tpu.memref_slice %arg2[%run_scoped3A_44, %add3A, %dma_wait3A_93, %dma_wait3A_94] : memref<25x32x8x128xi32, #tpu.memory_space<hbm>> -> memref<1x1x8x128xi32, #tpu.memory_space<hbm>>
      %dma_wait3A_96 = tpu.memref_squeeze %dma_wait3A_95 : memref<1x1x8x128xi32, #tpu.memory_space<hbm>> -> memref<8x128xi32, #tpu.memory_space<hbm>>
      %dma_wait3A_97 = arith.constant 0 : i32
      %dma_wait3A_98 = arith.constant 0 : i32
      %dma_wait3A_99 = tpu.memref_slice %arg5[%run_scoped3A_45, %dma_wait3A_97, %dma_wait3A_98] : memref<25x8x128xi32, #tpu.memory_space<vmem>> -> memref<1x8x128xi32, #tpu.memory_space<vmem>>
      %dma_wait3A_100 = tpu.memref_squeeze %dma_wait3A_99 : memref<1x8x128xi32, #tpu.memory_space<vmem>> -> memref<8x128xi32, #tpu.memory_space<vmem>>
      %dma_wait3A_101 = arith.constant 0 : i32
      %dma_wait3A_102 = arith.constant 0 : i32
      %dma_wait3A_103 = tpu.memref_slice %arg2[%run_scoped3A_44, %add3A, %dma_wait3A_101, %dma_wait3A_102] : memref<25x32x8x128xi32, #tpu.memory_space<hbm>> -> memref<1x1x8x128xi32, #tpu.memory_space<hbm>>
      %dma_wait3A_104 = tpu.memref_squeeze %dma_wait3A_103 : memref<1x1x8x128xi32, #tpu.memory_space<hbm>> -> memref<8x128xi32, #tpu.memory_space<hbm>>
      tpu.wait_dma2 semaphore(%run_scoped3A_72 : memref<!tpu.dma_semaphore, #tpu.memory_space<semaphore_mem>>) src(%dma_wait3A_104 : memref<8x128xi32, #tpu.memory_space<hbm>>) dst(%dma_wait3A_100 : memref<8x128xi32, #tpu.memory_space<vmem>>)
      tpu.yield
    }) : () -> ()
    %run_scoped3A_46 = arith.constant 23 : i32
    %run_scoped3A_47 = arith.constant 23 : i32
    "tpu.region"() ({
      %run_scoped3A_72 = tpu.sem_alloc : memref<!tpu.dma_semaphore, #tpu.memory_space<semaphore_mem>>
      %dma_start3A_73 = arith.constant 0 : i32
      %dma_start3A_74 = arith.constant 0 : i32
      %dma_start3A_75 = tpu.memref_slice %arg5[%run_scoped3A_47, %dma_start3A_73, %dma_start3A_74] : memref<25x8x128xi32, #tpu.memory_space<vmem>> -> memref<1x8x128xi32, #tpu.memory_space<vmem>>
      %dma_start3A_76 = tpu.memref_squeeze %dma_start3A_75 : memref<1x8x128xi32, #tpu.memory_space<vmem>> -> memref<8x128xi32, #tpu.memory_space<vmem>>
      %dma_start3A_77 = arith.constant 0 : i32
      %dma_start3A_78 = arith.constant 0 : i32
      %dma_start3A_79 = tpu.memref_slice %arg2[%run_scoped3A_46, %add3A, %dma_start3A_77, %dma_start3A_78] : memref<25x32x8x128xi32, #tpu.memory_space<hbm>> -> memref<1x1x8x128xi32, #tpu.memory_space<hbm>>
      %dma_start3A_80 = tpu.memref_squeeze %dma_start3A_79 : memref<1x1x8x128xi32, #tpu.memory_space<hbm>> -> memref<8x128xi32, #tpu.memory_space<hbm>>
      %dma_start3A_81 = arith.constant 0 : i32
      %dma_start3A_82 = arith.constant 0 : i32
      %dma_start3A_83 = tpu.memref_slice %arg5[%run_scoped3A_47, %dma_start3A_81, %dma_start3A_82] : memref<25x8x128xi32, #tpu.memory_space<vmem>> -> memref<1x8x128xi32, #tpu.memory_space<vmem>>
      %dma_start3A_84 = tpu.memref_squeeze %dma_start3A_83 : memref<1x8x128xi32, #tpu.memory_space<vmem>> -> memref<8x128xi32, #tpu.memory_space<vmem>>
      %dma_start3A_85 = arith.constant 0 : i32
      %dma_start3A_86 = arith.constant 0 : i32
      %dma_start3A_87 = tpu.memref_slice %arg2[%run_scoped3A_46, %add3A, %dma_start3A_85, %dma_start3A_86] : memref<25x32x8x128xi32, #tpu.memory_space<hbm>> -> memref<1x1x8x128xi32, #tpu.memory_space<hbm>>
      %dma_start3A_88 = tpu.memref_squeeze %dma_start3A_87 : memref<1x1x8x128xi32, #tpu.memory_space<hbm>> -> memref<8x128xi32, #tpu.memory_space<hbm>>
      tpu.enqueue_dma source(%dma_start3A_88 : memref<8x128xi32, #tpu.memory_space<hbm>>) target(%dma_start3A_84 : memref<8x128xi32, #tpu.memory_space<vmem>>) target_semaphore(%run_scoped3A_72 : memref<!tpu.dma_semaphore, #tpu.memory_space<semaphore_mem>>)
      %dma_wait3A_89 = arith.constant 0 : i32
      %dma_wait3A_90 = arith.constant 0 : i32
      %dma_wait3A_91 = tpu.memref_slice %arg5[%run_scoped3A_47, %dma_wait3A_89, %dma_wait3A_90] : memref<25x8x128xi32, #tpu.memory_space<vmem>> -> memref<1x8x128xi32, #tpu.memory_space<vmem>>
      %dma_wait3A_92 = tpu.memref_squeeze %dma_wait3A_91 : memref<1x8x128xi32, #tpu.memory_space<vmem>> -> memref<8x128xi32, #tpu.memory_space<vmem>>
      %dma_wait3A_93 = arith.constant 0 : i32
      %dma_wait3A_94 = arith.constant 0 : i32
      %dma_wait3A_95 = tpu.memref_slice %arg2[%run_scoped3A_46, %add3A, %dma_wait3A_93, %dma_wait3A_94] : memref<25x32x8x128xi32, #tpu.memory_space<hbm>> -> memref<1x1x8x128xi32, #tpu.memory_space<hbm>>
      %dma_wait3A_96 = tpu.memref_squeeze %dma_wait3A_95 : memref<1x1x8x128xi32, #tpu.memory_space<hbm>> -> memref<8x128xi32, #tpu.memory_space<hbm>>
      %dma_wait3A_97 = arith.constant 0 : i32
      %dma_wait3A_98 = arith.constant 0 : i32
      %dma_wait3A_99 = tpu.memref_slice %arg5[%run_scoped3A_47, %dma_wait3A_97, %dma_wait3A_98] : memref<25x8x128xi32, #tpu.memory_space<vmem>> -> memref<1x8x128xi32, #tpu.memory_space<vmem>>
      %dma_wait3A_100 = tpu.memref_squeeze %dma_wait3A_99 : memref<1x8x128xi32, #tpu.memory_space<vmem>> -> memref<8x128xi32, #tpu.memory_space<vmem>>
      %dma_wait3A_101 = arith.constant 0 : i32
      %dma_wait3A_102 = arith.constant 0 : i32
      %dma_wait3A_103 = tpu.memref_slice %arg2[%run_scoped3A_46, %add3A, %dma_wait3A_101, %dma_wait3A_102] : memref<25x32x8x128xi32, #tpu.memory_space<hbm>> -> memref<1x1x8x128xi32, #tpu.memory_space<hbm>>
      %dma_wait3A_104 = tpu.memref_squeeze %dma_wait3A_103 : memref<1x1x8x128xi32, #tpu.memory_space<hbm>> -> memref<8x128xi32, #tpu.memory_space<hbm>>
      tpu.wait_dma2 semaphore(%run_scoped3A_72 : memref<!tpu.dma_semaphore, #tpu.memory_space<semaphore_mem>>) src(%dma_wait3A_104 : memref<8x128xi32, #tpu.memory_space<hbm>>) dst(%dma_wait3A_100 : memref<8x128xi32, #tpu.memory_space<vmem>>)
      tpu.yield
    }) : () -> ()
    %run_scoped3A_48 = arith.constant 24 : i32
    %run_scoped3A_49 = arith.constant 24 : i32
    "tpu.region"() ({
      %run_scoped3A_72 = tpu.sem_alloc : memref<!tpu.dma_semaphore, #tpu.memory_space<semaphore_mem>>
      %dma_start3A_73 = arith.constant 0 : i32
      %dma_start3A_74 = arith.constant 0 : i32
      %dma_start3A_75 = tpu.memref_slice %arg5[%run_scoped3A_49, %dma_start3A_73, %dma_start3A_74] : memref<25x8x128xi32, #tpu.memory_space<vmem>> -> memref<1x8x128xi32, #tpu.memory_space<vmem>>
      %dma_start3A_76 = tpu.memref_squeeze %dma_start3A_75 : memref<1x8x128xi32, #tpu.memory_space<vmem>> -> memref<8x128xi32, #tpu.memory_space<vmem>>
      %dma_start3A_77 = arith.constant 0 : i32
      %dma_start3A_78 = arith.constant 0 : i32
      %dma_start3A_79 = tpu.memref_slice %arg2[%run_scoped3A_48, %add3A, %dma_start3A_77, %dma_start3A_78] : memref<25x32x8x128xi32, #tpu.memory_space<hbm>> -> memref<1x1x8x128xi32, #tpu.memory_space<hbm>>
      %dma_start3A_80 = tpu.memref_squeeze %dma_start3A_79 : memref<1x1x8x128xi32, #tpu.memory_space<hbm>> -> memref<8x128xi32, #tpu.memory_space<hbm>>
      %dma_start3A_81 = arith.constant 0 : i32
      %dma_start3A_82 = arith.constant 0 : i32
      %dma_start3A_83 = tpu.memref_slice %arg5[%run_scoped3A_49, %dma_start3A_81, %dma_start3A_82] : memref<25x8x128xi32, #tpu.memory_space<vmem>> -> memref<1x8x128xi32, #tpu.memory_space<vmem>>
      %dma_start3A_84 = tpu.memref_squeeze %dma_start3A_83 : memref<1x8x128xi32, #tpu.memory_space<vmem>> -> memref<8x128xi32, #tpu.memory_space<vmem>>
      %dma_start3A_85 = arith.constant 0 : i32
      %dma_start3A_86 = arith.constant 0 : i32
      %dma_start3A_87 = tpu.memref_slice %arg2[%run_scoped3A_48, %add3A, %dma_start3A_85, %dma_start3A_86] : memref<25x32x8x128xi32, #tpu.memory_space<hbm>> -> memref<1x1x8x128xi32, #tpu.memory_space<hbm>>
      %dma_start3A_88 = tpu.memref_squeeze %dma_start3A_87 : memref<1x1x8x128xi32, #tpu.memory_space<hbm>> -> memref<8x128xi32, #tpu.memory_space<hbm>>
      tpu.enqueue_dma source(%dma_start3A_88 : memref<8x128xi32, #tpu.memory_space<hbm>>) target(%dma_start3A_84 : memref<8x128xi32, #tpu.memory_space<vmem>>) target_semaphore(%run_scoped3A_72 : memref<!tpu.dma_semaphore, #tpu.memory_space<semaphore_mem>>)
      %dma_wait3A_89 = arith.constant 0 : i32
      %dma_wait3A_90 = arith.constant 0 : i32
      %dma_wait3A_91 = tpu.memref_slice %arg5[%run_scoped3A_49, %dma_wait3A_89, %dma_wait3A_90] : memref<25x8x128xi32, #tpu.memory_space<vmem>> -> memref<1x8x128xi32, #tpu.memory_space<vmem>>
      %dma_wait3A_92 = tpu.memref_squeeze %dma_wait3A_91 : memref<1x8x128xi32, #tpu.memory_space<vmem>> -> memref<8x128xi32, #tpu.memory_space<vmem>>
      %dma_wait3A_93 = arith.constant 0 : i32
      %dma_wait3A_94 = arith.constant 0 : i32
      %dma_wait3A_95 = tpu.memref_slice %arg2[%run_scoped3A_48, %add3A, %dma_wait3A_93, %dma_wait3A_94] : memref<25x32x8x128xi32, #tpu.memory_space<hbm>> -> memref<1x1x8x128xi32, #tpu.memory_space<hbm>>
      %dma_wait3A_96 = tpu.memref_squeeze %dma_wait3A_95 : memref<1x1x8x128xi32, #tpu.memory_space<hbm>> -> memref<8x128xi32, #tpu.memory_space<hbm>>
      %dma_wait3A_97 = arith.constant 0 : i32
      %dma_wait3A_98 = arith.constant 0 : i32
      %dma_wait3A_99 = tpu.memref_slice %arg5[%run_scoped3A_49, %dma_wait3A_97, %dma_wait3A_98] : memref<25x8x128xi32, #tpu.memory_space<vmem>> -> memref<1x8x128xi32, #tpu.memory_space<vmem>>
      %dma_wait3A_100 = tpu.memref_squeeze %dma_wait3A_99 : memref<1x8x128xi32, #tpu.memory_space<vmem>> -> memref<8x128xi32, #tpu.memory_space<vmem>>
      %dma_wait3A_101 = arith.constant 0 : i32
      %dma_wait3A_102 = arith.constant 0 : i32
      %dma_wait3A_103 = tpu.memref_slice %arg2[%run_scoped3A_48, %add3A, %dma_wait3A_101, %dma_wait3A_102] : memref<25x32x8x128xi32, #tpu.memory_space<hbm>> -> memref<1x1x8x128xi32, #tpu.memory_space<hbm>>
      %dma_wait3A_104 = tpu.memref_squeeze %dma_wait3A_103 : memref<1x1x8x128xi32, #tpu.memory_space<hbm>> -> memref<8x128xi32, #tpu.memory_space<hbm>>
      tpu.wait_dma2 semaphore(%run_scoped3A_72 : memref<!tpu.dma_semaphore, #tpu.memory_space<semaphore_mem>>) src(%dma_wait3A_104 : memref<8x128xi32, #tpu.memory_space<hbm>>) dst(%dma_wait3A_100 : memref<8x128xi32, #tpu.memory_space<vmem>>)
      tpu.yield
    }) : () -> ()
    %div3A = arith.constant 0 : i32
    %div3A_50 = arith.constant 8 : i32
    %div3A_51 = arith.divsi %div3A, %div3A_50 : i32
    %rem3A = arith.constant 0 : i32
    %rem3A_52 = arith.constant 8 : i32
    %rem3A_53 = arith.remsi %rem3A, %rem3A_52 : i32
    %dma_start3A = arith.constant 0 : i32
    %dma_start3A_54 = tpu.memref_slice %arg5[%div3A_51, %rem3A_53, %dma_start3A] : memref<25x8x128xi32, #tpu.memory_space<vmem>> -> memref<1x1x128xi32, #tpu.memory_space<vmem>>
    %dma_start3A_55 = tpu.memref_squeeze %dma_start3A_54 : memref<1x1x128xi32, #tpu.memory_space<vmem>> -> memref<128xi32, #tpu.memory_space<vmem>>
    %dma_start3A_56 = arith.constant 0 : i32
    %dma_start3A_57 = arith.constant 0 : i32
    %dma_start3A_58 = tpu.memref_slice %arg3[%dma_start3A_56, %dma_start3A_57] : memref<1000000x64xf32, #tpu.memory_space<hbm>> -> memref<1000000x64xf32, #tpu.memory_space<hbm>>
    tpu.enqueue_indirect_dma source(%dma_start3A_58 : memref<1000000x64xf32, #tpu.memory_space<hbm>>) target(%arg6 : memref<128x64xf32, #tpu.memory_space<vmem>>) offsets(%dma_start3A_55 : memref<128xi32, #tpu.memory_space<vmem>>) semaphore(%arg8 : memref<!tpu.dma_semaphore, #tpu.memory_space<semaphore_mem>>)
    %scan3A = arith.constant 0 : i32
    %scan3A_59 = arith.constant 0 : i32
    %scan3A_60 = arith.constant 100 : i32
    %scan3A_61 = arith.addi %scan3A_59, %scan3A_60 : i32
    %scan3A_62 = arith.constant 1 : i32
    scf.for %scan3A_72 = %scan3A_59 to %scan3A_61 step %scan3A_62  : i32 {
      %mul3A_73 = arith.constant 2 : i32
      %mul3A_74 = arith.muli %scan3A_72, %mul3A_73 : i32
      %add3A_75 = arith.constant 0 : i32
      %add3A_76 = arith.addi %mul3A_74, %add3A_75 : i32
      %div3A_77 = arith.constant 8 : i32
      %div3A_78 = arith.divsi %add3A_76, %div3A_77 : i32
      %rem3A_79 = arith.constant 8 : i32
      %rem3A_80 = arith.remsi %add3A_76, %rem3A_79 : i32
      %dma_wait3A_81 = arith.constant 0 : i32
      %dma_wait3A_82 = tpu.memref_slice %arg5[%div3A_78, %rem3A_80, %dma_wait3A_81] : memref<25x8x128xi32, #tpu.memory_space<vmem>> -> memref<1x1x128xi32, #tpu.memory_space<vmem>>
      %dma_wait3A_83 = tpu.memref_squeeze %dma_wait3A_82 : memref<1x1x128xi32, #tpu.memory_space<vmem>> -> memref<128xi32, #tpu.memory_space<vmem>>
      %dma_wait3A_84 = arith.constant 0 : i32
      %dma_wait3A_85 = arith.constant 0 : i32
      %dma_wait3A_86 = tpu.memref_slice %arg3[%dma_wait3A_84, %dma_wait3A_85] : memref<1000000x64xf32, #tpu.memory_space<hbm>> -> memref<1000000x64xf32, #tpu.memory_space<hbm>>
      tpu.wait_indirect_dma semaphore(%arg8 : memref<!tpu.dma_semaphore, #tpu.memory_space<semaphore_mem>>) src(%dma_wait3A_86 : memref<1000000x64xf32, #tpu.memory_space<hbm>>) dst(%arg6 : memref<128x64xf32, #tpu.memory_space<vmem>>)
      %ge3A = arith.constant 1 : i32
      %ge3A_87 = arith.cmpi sge, %add3A_76, %ge3A : i32
      %convert_element_type3A = arith.extui %ge3A_87 : i1 to i32
      %cond3A = arith.constant 0 : i32
      %cond3A_88 = arith.cmpi ne, %convert_element_type3A, %cond3A : i32
      scf.if %cond3A_88 {
        %sub3A = arith.constant 1 : i32
        %sub3A_137 = arith.subi %add3A_76, %sub3A : i32
        %dma_wait3A_138 = arith.constant 0 : i32
        %dma_wait3A_139 = arith.constant 0 : i32
        %dma_wait3A_140 = tpu.memref_slice %arg4[%sub3A_137, %add3A, %dma_wait3A_138, %dma_wait3A_139] : memref<200x32x128x64xf32, #tpu.memory_space<hbm>> -> memref<1x1x128x64xf32, #tpu.memory_space<hbm>>
        %dma_wait3A_141 = tpu.memref_squeeze %dma_wait3A_140 : memref<1x1x128x64xf32, #tpu.memory_space<hbm>> -> memref<128x64xf32, #tpu.memory_space<hbm>>
        %dma_wait3A_142 = arith.constant 0 : i32
        %dma_wait3A_143 = arith.constant 0 : i32
        %dma_wait3A_144 = tpu.memref_slice %arg4[%sub3A_137, %add3A, %dma_wait3A_142, %dma_wait3A_143] : memref<200x32x128x64xf32, #tpu.memory_space<hbm>> -> memref<1x1x128x64xf32, #tpu.memory_space<hbm>>
        %dma_wait3A_145 = tpu.memref_squeeze %dma_wait3A_144 : memref<1x1x128x64xf32, #tpu.memory_space<hbm>> -> memref<128x64xf32, #tpu.memory_space<hbm>>
        tpu.wait_dma2 semaphore(%arg11 : memref<!tpu.dma_semaphore, #tpu.memory_space<semaphore_mem>>) src(%arg7 : memref<128x64xf32, #tpu.memory_space<vmem>>) dst(%dma_wait3A_145 : memref<128x64xf32, #tpu.memory_space<hbm>>)
      } else {
      }
      %add3A_89 = arith.constant 1 : i32
      %add3A_90 = arith.addi %add3A_76, %add3A_89 : i32
      %lt3A = arith.constant 200 : i32
      %lt3A_91 = arith.cmpi slt, %add3A_90, %lt3A : i32
      %convert_element_type3A_92 = arith.extui %lt3A_91 : i1 to i32
      %cond3A_93 = arith.constant 0 : i32
      %cond3A_94 = arith.cmpi ne, %convert_element_type3A_92, %cond3A_93 : i32
      scf.if %cond3A_94 {
        %add3A_137 = arith.constant 1 : i32
        %add3A_138 = arith.addi %add3A_76, %add3A_137 : i32
        %div3A_139 = arith.constant 8 : i32
        %div3A_140 = arith.divsi %add3A_138, %div3A_139 : i32
        %rem3A_141 = arith.constant 8 : i32
        %rem3A_142 = arith.remsi %add3A_138, %rem3A_141 : i32
        %dma_start3A_143 = arith.constant 0 : i32
        %dma_start3A_144 = tpu.memref_slice %arg5[%div3A_140, %rem3A_142, %dma_start3A_143] : memref<25x8x128xi32, #tpu.memory_space<vmem>> -> memref<1x1x128xi32, #tpu.memory_space<vmem>>
        %dma_start3A_145 = tpu.memref_squeeze %dma_start3A_144 : memref<1x1x128xi32, #tpu.memory_space<vmem>> -> memref<128xi32, #tpu.memory_space<vmem>>
        %dma_start3A_146 = arith.constant 0 : i32
        %dma_start3A_147 = arith.constant 0 : i32
        %dma_start3A_148 = tpu.memref_slice %arg3[%dma_start3A_146, %dma_start3A_147] : memref<1000000x64xf32, #tpu.memory_space<hbm>> -> memref<1000000x64xf32, #tpu.memory_space<hbm>>
        tpu.enqueue_indirect_dma source(%dma_start3A_148 : memref<1000000x64xf32, #tpu.memory_space<hbm>>) target(%arg7 : memref<128x64xf32, #tpu.memory_space<vmem>>) offsets(%dma_start3A_145 : memref<128xi32, #tpu.memory_space<vmem>>) semaphore(%arg9 : memref<!tpu.dma_semaphore, #tpu.memory_space<semaphore_mem>>)
      } else {
      }
      %dma_start3A_95 = arith.constant 0 : i32
      %dma_start3A_96 = arith.constant 0 : i32
      %dma_start3A_97 = tpu.memref_slice %arg4[%add3A_76, %add3A, %dma_start3A_95, %dma_start3A_96] : memref<200x32x128x64xf32, #tpu.memory_space<hbm>> -> memref<1x1x128x64xf32, #tpu.memory_space<hbm>>
      %dma_start3A_98 = tpu.memref_squeeze %dma_start3A_97 : memref<1x1x128x64xf32, #tpu.memory_space<hbm>> -> memref<128x64xf32, #tpu.memory_space<hbm>>
      %dma_start3A_99 = arith.constant 0 : i32
      %dma_start3A_100 = arith.constant 0 : i32
      %dma_start3A_101 = tpu.memref_slice %arg4[%add3A_76, %add3A, %dma_start3A_99, %dma_start3A_100] : memref<200x32x128x64xf32, #tpu.memory_space<hbm>> -> memref<1x1x128x64xf32, #tpu.memory_space<hbm>>
      %dma_start3A_102 = tpu.memref_squeeze %dma_start3A_101 : memref<1x1x128x64xf32, #tpu.memory_space<hbm>> -> memref<128x64xf32, #tpu.memory_space<hbm>>
      tpu.enqueue_dma source(%arg6 : memref<128x64xf32, #tpu.memory_space<vmem>>) target(%dma_start3A_102 : memref<128x64xf32, #tpu.memory_space<hbm>>) target_semaphore(%arg10 : memref<!tpu.dma_semaphore, #tpu.memory_space<semaphore_mem>>)
      %mul3A_103 = arith.constant 2 : i32
      %mul3A_104 = arith.muli %scan3A_72, %mul3A_103 : i32
      %add3A_105 = arith.constant 1 : i32
      %add3A_106 = arith.addi %mul3A_104, %add3A_105 : i32
      %div3A_107 = arith.constant 8 : i32
      %div3A_108 = arith.divsi %add3A_106, %div3A_107 : i32
      %rem3A_109 = arith.constant 8 : i32
      %rem3A_110 = arith.remsi %add3A_106, %rem3A_109 : i32
      %dma_wait3A_111 = arith.constant 0 : i32
      %dma_wait3A_112 = tpu.memref_slice %arg5[%div3A_108, %rem3A_110, %dma_wait3A_111] : memref<25x8x128xi32, #tpu.memory_space<vmem>> -> memref<1x1x128xi32, #tpu.memory_space<vmem>>
      %dma_wait3A_113 = tpu.memref_squeeze %dma_wait3A_112 : memref<1x1x128xi32, #tpu.memory_space<vmem>> -> memref<128xi32, #tpu.memory_space<vmem>>
      %dma_wait3A_114 = arith.constant 0 : i32
      %dma_wait3A_115 = arith.constant 0 : i32
      %dma_wait3A_116 = tpu.memref_slice %arg3[%dma_wait3A_114, %dma_wait3A_115] : memref<1000000x64xf32, #tpu.memory_space<hbm>> -> memref<1000000x64xf32, #tpu.memory_space<hbm>>
      tpu.wait_indirect_dma semaphore(%arg9 : memref<!tpu.dma_semaphore, #tpu.memory_space<semaphore_mem>>) src(%dma_wait3A_116 : memref<1000000x64xf32, #tpu.memory_space<hbm>>) dst(%arg7 : memref<128x64xf32, #tpu.memory_space<vmem>>)
      %ge3A_117 = arith.constant 1 : i32
      %ge3A_118 = arith.cmpi sge, %add3A_106, %ge3A_117 : i32
      %convert_element_type3A_119 = arith.extui %ge3A_118 : i1 to i32
      %cond3A_120 = arith.constant 0 : i32
      %cond3A_121 = arith.cmpi ne, %convert_element_type3A_119, %cond3A_120 : i32
      scf.if %cond3A_121 {
        %sub3A = arith.constant 1 : i32
        %sub3A_137 = arith.subi %add3A_106, %sub3A : i32
        %dma_wait3A_138 = arith.constant 0 : i32
        %dma_wait3A_139 = arith.constant 0 : i32
        %dma_wait3A_140 = tpu.memref_slice %arg4[%sub3A_137, %add3A, %dma_wait3A_138, %dma_wait3A_139] : memref<200x32x128x64xf32, #tpu.memory_space<hbm>> -> memref<1x1x128x64xf32, #tpu.memory_space<hbm>>
        %dma_wait3A_141 = tpu.memref_squeeze %dma_wait3A_140 : memref<1x1x128x64xf32, #tpu.memory_space<hbm>> -> memref<128x64xf32, #tpu.memory_space<hbm>>
        %dma_wait3A_142 = arith.constant 0 : i32
        %dma_wait3A_143 = arith.constant 0 : i32
        %dma_wait3A_144 = tpu.memref_slice %arg4[%sub3A_137, %add3A, %dma_wait3A_142, %dma_wait3A_143] : memref<200x32x128x64xf32, #tpu.memory_space<hbm>> -> memref<1x1x128x64xf32, #tpu.memory_space<hbm>>
        %dma_wait3A_145 = tpu.memref_squeeze %dma_wait3A_144 : memref<1x1x128x64xf32, #tpu.memory_space<hbm>> -> memref<128x64xf32, #tpu.memory_space<hbm>>
        tpu.wait_dma2 semaphore(%arg10 : memref<!tpu.dma_semaphore, #tpu.memory_space<semaphore_mem>>) src(%arg6 : memref<128x64xf32, #tpu.memory_space<vmem>>) dst(%dma_wait3A_145 : memref<128x64xf32, #tpu.memory_space<hbm>>)
      } else {
      }
      %add3A_122 = arith.constant 1 : i32
      %add3A_123 = arith.addi %add3A_106, %add3A_122 : i32
      %lt3A_124 = arith.constant 200 : i32
      %lt3A_125 = arith.cmpi slt, %add3A_123, %lt3A_124 : i32
      %convert_element_type3A_126 = arith.extui %lt3A_125 : i1 to i32
      %cond3A_127 = arith.constant 0 : i32
      %cond3A_128 = arith.cmpi ne, %convert_element_type3A_126, %cond3A_127 : i32
      scf.if %cond3A_128 {
        %add3A_137 = arith.constant 1 : i32
        %add3A_138 = arith.addi %add3A_106, %add3A_137 : i32
        %div3A_139 = arith.constant 8 : i32
        %div3A_140 = arith.divsi %add3A_138, %div3A_139 : i32
        %rem3A_141 = arith.constant 8 : i32
        %rem3A_142 = arith.remsi %add3A_138, %rem3A_141 : i32
        %dma_start3A_143 = arith.constant 0 : i32
        %dma_start3A_144 = tpu.memref_slice %arg5[%div3A_140, %rem3A_142, %dma_start3A_143] : memref<25x8x128xi32, #tpu.memory_space<vmem>> -> memref<1x1x128xi32, #tpu.memory_space<vmem>>
        %dma_start3A_145 = tpu.memref_squeeze %dma_start3A_144 : memref<1x1x128xi32, #tpu.memory_space<vmem>> -> memref<128xi32, #tpu.memory_space<vmem>>
        %dma_start3A_146 = arith.constant 0 : i32
        %dma_start3A_147 = arith.constant 0 : i32
        %dma_start3A_148 = tpu.memref_slice %arg3[%dma_start3A_146, %dma_start3A_147] : memref<1000000x64xf32, #tpu.memory_space<hbm>> -> memref<1000000x64xf32, #tpu.memory_space<hbm>>
        tpu.enqueue_indirect_dma source(%dma_start3A_148 : memref<1000000x64xf32, #tpu.memory_space<hbm>>) target(%arg6 : memref<128x64xf32, #tpu.memory_space<vmem>>) offsets(%dma_start3A_145 : memref<128xi32, #tpu.memory_space<vmem>>) semaphore(%arg8 : memref<!tpu.dma_semaphore, #tpu.memory_space<semaphore_mem>>)
      } else {
      }
      %dma_start3A_129 = arith.constant 0 : i32
      %dma_start3A_130 = arith.constant 0 : i32
      %dma_start3A_131 = tpu.memref_slice %arg4[%add3A_106, %add3A, %dma_start3A_129, %dma_start3A_130] : memref<200x32x128x64xf32, #tpu.memory_space<hbm>> -> memref<1x1x128x64xf32, #tpu.memory_space<hbm>>
      %dma_start3A_132 = tpu.memref_squeeze %dma_start3A_131 : memref<1x1x128x64xf32, #tpu.memory_space<hbm>> -> memref<128x64xf32, #tpu.memory_space<hbm>>
      %dma_start3A_133 = arith.constant 0 : i32
      %dma_start3A_134 = arith.constant 0 : i32
      %dma_start3A_135 = tpu.memref_slice %arg4[%add3A_106, %add3A, %dma_start3A_133, %dma_start3A_134] : memref<200x32x128x64xf32, #tpu.memory_space<hbm>> -> memref<1x1x128x64xf32, #tpu.memory_space<hbm>>
      %dma_start3A_136 = tpu.memref_squeeze %dma_start3A_135 : memref<1x1x128x64xf32, #tpu.memory_space<hbm>> -> memref<128x64xf32, #tpu.memory_space<hbm>>
      tpu.enqueue_dma source(%arg7 : memref<128x64xf32, #tpu.memory_space<vmem>>) target(%dma_start3A_136 : memref<128x64xf32, #tpu.memory_space<hbm>>) target_semaphore(%arg11 : memref<!tpu.dma_semaphore, #tpu.memory_space<semaphore_mem>>)
    }
    %scan3A_63 = arith.constant 100 : i32
    %dma_wait3A = arith.constant 199 : i32
    %dma_wait3A_64 = arith.constant 0 : i32
    %dma_wait3A_65 = arith.constant 0 : i32
    %dma_wait3A_66 = tpu.memref_slice %arg4[%dma_wait3A, %add3A, %dma_wait3A_64, %dma_wait3A_65] : memref<200x32x128x64xf32, #tpu.memory_space<hbm>> -> memref<1x1x128x64xf32, #tpu.memory_space<hbm>>
    %dma_wait3A_67 = tpu.memref_squeeze %dma_wait3A_66 : memref<1x1x128x64xf32, #tpu.memory_space<hbm>> -> memref<128x64xf32, #tpu.memory_space<hbm>>
    %dma_wait3A_68 = arith.constant 0 : i32
    %dma_wait3A_69 = arith.constant 0 : i32
    %dma_wait3A_70 = tpu.memref_slice %arg4[%dma_wait3A, %add3A, %dma_wait3A_68, %dma_wait3A_69] : memref<200x32x128x64xf32, #tpu.memory_space<hbm>> -> memref<1x1x128x64xf32, #tpu.memory_space<hbm>>
    %dma_wait3A_71 = tpu.memref_squeeze %dma_wait3A_70 : memref<1x1x128x64xf32, #tpu.memory_space<hbm>> -> memref<128x64xf32, #tpu.memory_space<hbm>>
    tpu.wait_dma2 semaphore(%arg11 : memref<!tpu.dma_semaphore, #tpu.memory_space<semaphore_mem>>) src(%arg7 : memref<128x64xf32, #tpu.memory_space<vmem>>) dst(%dma_wait3A_71 : memref<128x64xf32, #tpu.memory_space<hbm>>)
    return
  }
}

module attributes {stable_mosaic.version = 14 : i64} {
  func.func @_tc_ln_kernel(%arg0: i32, %arg1: memref<1x32x128x64xf32, #tpu.memory_space<vmem>>, %arg2: memref<1x64xf32, #tpu.memory_space<vmem>>, %arg3: memref<1x64xf32, #tpu.memory_space<vmem>>, %arg4: memref<1x8x32x8x128xf32, #tpu.memory_space<vmem>>) attributes {dimension_semantics = [#tpu.dimension_semantics<arbitrary>], iteration_bounds = array<i64: 200>, scalar_prefetch = 0 : i64, scratch_operands = 0 : i64, tpu.core_type = #tpu.core_type<tc>, window_params = [{transform_indices = @transform_0, window_bounds = array<i64: 1, 32, 128, 64>}, {pipeline_mode = #tpu.pipeline_mode<synchronous>, transform_indices = @transform_1, window_bounds = array<i64: 1, 64>}, {pipeline_mode = #tpu.pipeline_mode<synchronous>, transform_indices = @transform_2, window_bounds = array<i64: 1, 64>}, {transform_indices = @transform_3, window_bounds = array<i64: 1, 8, 32, 8, 128>}]} {
    %get3A = arith.constant 0 : index
    %get3A_0 = arith.constant 0 : index
    %get3A_1 = arith.constant 0 : index
    %get3A_2 = arith.constant 0 : index
    %get3A_3 = vector.load %arg1[%get3A, %get3A_0, %get3A_1, %get3A_2] : memref<1x32x128x64xf32, #tpu.memory_space<vmem>>, vector<1x32x128x64xf32>
    %get3A_4 = vector.shape_cast %get3A_3 : vector<1x32x128x64xf32> to vector<32x128x64xf32>
    %reduce_sum3A = arith.constant dense<0.000000e+00> : vector<32x128xf32>
    %reduce_sum3A_5 = vector.multi_reduction <add>, %get3A_4, %reduce_sum3A [2] : vector<32x128x64xf32> to vector<32x128xf32>
    %broadcast_in_dim3A = vector.shape_cast %reduce_sum3A_5 : vector<32x128xf32> to vector<32x128x1xf32>
    %mul3A = arith.mulf %get3A_4, %get3A_4 : vector<32x128x64xf32>
    %reduce_sum3A_6 = arith.constant dense<0.000000e+00> : vector<32x128xf32>
    %reduce_sum3A_7 = vector.multi_reduction <add>, %mul3A, %reduce_sum3A_6 [2] : vector<32x128x64xf32> to vector<32x128xf32>
    %broadcast_in_dim3A_8 = vector.shape_cast %reduce_sum3A_7 : vector<32x128xf32> to vector<32x128x1xf32>
    %mul3A_9 = arith.constant 1.562500e-02 : f32
    %mul3A_10 = vector.broadcast %mul3A_9 : f32 to vector<32x128x1xf32>
    %mul3A_11 = arith.mulf %broadcast_in_dim3A, %mul3A_10 : vector<32x128x1xf32>
    %mul3A_12 = arith.constant 1.562500e-02 : f32
    %mul3A_13 = vector.broadcast %mul3A_12 : f32 to vector<32x128x1xf32>
    %mul3A_14 = arith.mulf %broadcast_in_dim3A_8, %mul3A_13 : vector<32x128x1xf32>
    %mul3A_15 = arith.mulf %mul3A_11, %mul3A_11 : vector<32x128x1xf32>
    %sub3A = arith.subf %mul3A_14, %mul3A_15 : vector<32x128x1xf32>
    %add3A = arith.constant 9.99999974E-6 : f32
    %add3A_16 = vector.broadcast %add3A : f32 to vector<32x128x1xf32>
    %add3A_17 = arith.addf %sub3A, %add3A_16 : vector<32x128x1xf32>
    %rsqrt3A = math.rsqrt %add3A_17 : vector<32x128x1xf32>
    %get3A_18 = arith.constant 0 : index
    %get3A_19 = arith.constant 0 : index
    %get3A_20 = vector.load %arg2[%get3A_18, %get3A_19] : memref<1x64xf32, #tpu.memory_space<vmem>>, vector<1x64xf32>
    %get3A_21 = vector.shape_cast %get3A_20 : vector<1x64xf32> to vector<64xf32>
    %reshape3A = vector.shape_cast %get3A_21 : vector<64xf32> to vector<1x1x64xf32>
    %get3A_22 = arith.constant 0 : index
    %get3A_23 = arith.constant 0 : index
    %get3A_24 = vector.load %arg3[%get3A_22, %get3A_23] : memref<1x64xf32, #tpu.memory_space<vmem>>, vector<1x64xf32>
    %get3A_25 = vector.shape_cast %get3A_24 : vector<1x64xf32> to vector<64xf32>
    %reshape3A_26 = vector.shape_cast %get3A_25 : vector<64xf32> to vector<1x1x64xf32>
    %sub3A_27 = vector.broadcast %mul3A_11 : vector<32x128x1xf32> to vector<32x128x64xf32>
    %sub3A_28 = arith.subf %get3A_4, %sub3A_27 : vector<32x128x64xf32>
    %mul3A_29 = vector.broadcast %rsqrt3A : vector<32x128x1xf32> to vector<32x128x64xf32>
    %mul3A_30 = arith.mulf %sub3A_28, %mul3A_29 : vector<32x128x64xf32>
    %mul3A_31 = vector.broadcast %reshape3A : vector<1x1x64xf32> to vector<32x128x64xf32>
    %mul3A_32 = arith.mulf %mul3A_30, %mul3A_31 : vector<32x128x64xf32>
    %add3A_33 = vector.broadcast %reshape3A_26 : vector<1x1x64xf32> to vector<32x128x64xf32>
    %add3A_34 = arith.addf %mul3A_32, %add3A_33 : vector<32x128x64xf32>
    %transpose3A = tpu.transpose %add3A_34, [0, 2, 1] : vector<32x128x64xf32> -> vector<32x64x128xf32>
    %reshape3A_35 = vector.shape_cast %transpose3A : vector<32x64x128xf32> to vector<32x8x8x128xf32>
    %transpose3A_36 = tpu.transpose %reshape3A_35, [1, 0, 2, 3] : vector<32x8x8x128xf32> -> vector<8x32x8x128xf32>
    %swap3A = arith.constant 0 : index
    %swap3A_37 = arith.constant 0 : index
    %swap3A_38 = arith.constant 0 : index
    %swap3A_39 = arith.constant 0 : index
    %swap3A_40 = arith.constant 0 : index
    %swap3A_41 = vector.load %arg4[%swap3A, %swap3A_37, %swap3A_38, %swap3A_39, %swap3A_40] : memref<1x8x32x8x128xf32, #tpu.memory_space<vmem>>, vector<1x8x32x8x128xf32>
    %swap3A_42 = vector.shape_cast %swap3A_41 : vector<1x8x32x8x128xf32> to vector<8x32x8x128xf32>
    %swap3A_43 = vector.shape_cast %transpose3A_36 : vector<8x32x8x128xf32> to vector<1x8x32x8x128xf32>
    tpu.vector_store %arg4[%swap3A, %swap3A_37, %swap3A_38, %swap3A_39, %swap3A_40], %swap3A_43 {strides = array<i32>} : memref<1x8x32x8x128xf32, #tpu.memory_space<vmem>>, vector<1x8x32x8x128xf32>,
    return
  }
  func.func @transform_0(%arg0: i32) -> (i32, i32, i32, i32) {
    %c0_i32 = arith.constant 0 : i32
    %c0_i32_0 = arith.constant 0 : i32
    %c0_i32_1 = arith.constant 0 : i32
    %c0_i32_2 = arith.constant 0 : i32
    return %arg0, %c0_i32, %c0_i32_0, %c0_i32_1 : i32, i32, i32, i32
  }
  func.func @transform_1(%arg0: i32) -> (i32, i32) {
    %c0_i32 = arith.constant 0 : i32
    %c0_i32_0 = arith.constant 0 : i32
    %c0_i32_1 = arith.constant 0 : i32
    return %c0_i32, %c0_i32_0 : i32, i32
  }
  func.func @transform_2(%arg0: i32) -> (i32, i32) {
    %c0_i32 = arith.constant 0 : i32
    %c0_i32_0 = arith.constant 0 : i32
    %c0_i32_1 = arith.constant 0 : i32
    return %c0_i32, %c0_i32_0 : i32, i32
  }
  func.func @transform_3(%arg0: i32) -> (i32, i32, i32, i32, i32) {
    %c0_i32 = arith.constant 0 : i32
    %c0_i32_0 = arith.constant 0 : i32
    %c0_i32_1 = arith.constant 0 : i32
    %c0_i32_2 = arith.constant 0 : i32
    %c0_i32_3 = arith.constant 0 : i32
    return %arg0, %c0_i32, %c0_i32_0, %c0_i32_1, %c0_i32_2 : i32, i32, i32, i32, i32
  }
}

</mosaic_0001>

<sc_bundles>
// kernel: kernel.4.cloned.1.call-start
scs
__scs_entry_jumppad:
0x0: {  	(pc) =	sbr.rel $0x88, $3  }
0x1: {  	(tag) =	ssettag $0x0;
	lr =	simm.s32 $0x1  }
0x2: {  	[smem:$0x3F9D] =	sst lr;
	_ =	strace $0xD0000000  }
0x3: {  	_ = 	snop  }
0x4: {  	_ = 	snop  }
0x5: {  	_ = 	snop  }
0x6: {  	_ = 	snop  }
0x7: {  	_ = 	snop  }
__scs_overlays_trampoline_lowered:
0x8: {  	[smem:$0x3FAC] =	sst s0  }
0x9: {  	[smem:$0x3FAD] =	sst s1  }
0xa: {  	[smem:$0x3FAE] =	sst s2  }
0xb: {  	[smem:$0x3FAF] =	sst s3  }
0xc: {  	[smem:$0x3FB0] =	sst s4  }
0xd: {  	[smem:$0x3FB1] =	sst s5  }
0xe: {  	[smem:$0x3FB2] =	sst s6  }
0xf: {  	[smem:$0x3FB3] =	sst s7  }
0x10: {  	[smem:$0x3FB4] =	sst s8  }
0x11: {  	[smem:$0x3FB5] =	sst s9;
	s0 =	simm.s32 @!p0 $0x0  }
0x12: {  	s1 =	sld [smem:$0x3F9B];
	s0 =	simm.s32 @p0 $0x1  }
0x13: {  	[smem:$0x3FB6] =	sst s0;
	s0 =	simm.s32 @!p1 $0x0  }
0x14: {  	s2 =	sld [smem:$0x3F9A];
	s0 =	simm.s32 @p1 $0x1  }
0x15: {  	[smem:$0x3FB7] =	sst s0;
	s0 =	simm.s32 @!p2 $0x0  }
0x16: {  	s3 =	sld [smem:$0x3FDB];
	s0 =	simm.s32 @p2 $0x1  }
0x17: {  	s4 =	simm.s32 $0x1BF5;
	[smem:$0x3FB9] =	sst s0  }
0x18: {  	s0 =	sld [smem:$0x3F9C];
	_ =	swait.ge [sflag:s4], $0x0  }
0x19: {  	s7 =	sld [smem:$0x3F9D]  }
0x1a: {  	s8 =	sadd.s32 $0xFFFFE003, lr  }
0x1b: {  	s9 =	sadd.s32 $0xFFFFFEF7, lr;
	s5 =	simm.s32 $0xFFFFFFFF;
	p2 =	slt.u32 s8, $0xFFFFF086  }
0x1c: {  	p1 =	slt.u32 s9, $0xF7A;
	s5 =	simm.s32 @!p2 $0x0  }
0x1d: {  	s5 =	simm.s32 @p1 $0x1;
	p0 =	seq.s32 s7, s2  }
0x1e: {  	s7 =	smul.u32 @!p0 $0xF7A, s2;
	p2 =	seq.s32 @!p0 s5, $0x0  }
0x1f: {  	s9 =	smul.u32 $0xF7A, s1;
	s8 =	simm.s32 @!p0 $0x1BF5;
	p2 =	por !p2, p0  }
0x20: {  	[sflag:s8] =	ssyncset.s32 @!p0 $0xFFFFF086;
	s6 =	sadd.s32 @!p0 s3, s7;
	s7 =	simm.s32 @!p0 $0x108  }
0x21: {  	s3 =	sadd.s32 s3, s9;
	s6 =	sadd.s32 @!p0 $0x88, s6;
	s7 =	simm.s32 @p2 $0x1082  }
0x22: {  	[simem:s7], [sflag:s8] =	dma.local @!p0 [hbm:s6], $0xF7A  }
0x23: {  	s9 =	sor.u32 $0xD0000000, s2;
	s6 =	simm.s32 $0x108;
	_ =	swait.ge @!p0 [sflag:s8], $0x0  }
0x24: {  	s3 =	sadd.s32 $0x88, s3;
	s6 =	simm.s32 @!p1 $0x1082;
	[sflag:s4] =	ssyncset.s32 $0xFFFFF086  }
0x25: {  	[simem:s6], [sflag:s4] =	dma.local [hbm:s3], $0xF7A  }
0x26: {  	[smem:$0x3F9D] =	sst s1;
	(tag) =	ssettag s2;
	_ =	strace s9  }
0x27: {  	s1 =	sld [smem:$0x3FAD]  }
0x28: {  	s2 =	sld [smem:$0x3FAE]  }
0x29: {  	s4 =	sld [smem:$0x3FB0]  }
0x2a: {  	p0 =	seq.s32 s5, $0x0;
	s5 =	sld [smem:$0x3FB1]  }
0x2b: {  	s6 =	sld [smem:$0x3FB2]  }
0x2c: {  	s7 =	sld [smem:$0x3FB3]  }
0x2d: {  	s3 =	simm.s32 $0x108;
	s8 =	sld [smem:$0x3FB4]  }
0x2e: {  	s3 =	simm.s32 @!p0 $0x1082;
	s9 =	sld [smem:$0x3FB5]  }
0x2f: {  	lr =	sadd.s32 s0, s3;
	s0 =	sld [smem:$0x3FAC]  }
0x30: {  	s3 =	sld [smem:$0x3FAF]  }
0x31: {  	[smem:$0x3FB8] =	sst s10  }
0x32: {  	s10 =	sld [smem:$0x3FB6];
	_ =	sdelay $0x3  }
0x33: {  	p0 =	seq.s32 s10, $0x1;
	s10 =	sld [smem:$0x3FB8];
	_ =	sdelay $0x3  }
0x34: {  	[smem:$0x3FB8] =	sst s10  }
0x35: {  	s10 =	sld [smem:$0x3FB7];
	_ =	sdelay $0x3  }
0x36: {  	p1 =	seq.s32 s10, $0x1;
	s10 =	sld [smem:$0x3FB8];
	_ =	sdelay $0x3  }
0x37: {  	[smem:$0x3FB8] =	sst s10  }
0x38: {  	s10 =	sld [smem:$0x3FB9]  }
0x39: {  	_ = 	snop;
	(pc) =	sbr.ind lr, $3  }
0x3a: {  	_ = 	snop  }
0x3b: {  	_ = 	snop  }
0x3c: {  	p2 =	seq.s32 s10, $0x1;
	s10 =	sld [smem:$0x3FB8]  }
0x3d: {  	_ =	shalt  }
0x3e: {  	_ =	shalt  }
0x3f: {  	_ =	shalt  }
0x40: {  	_ =	shalt  }
0x41: {  	_ =	shalt  }
0x42: {  	_ =	shalt  }
0x43: {  	_ =	shalt  }
0x44: {  	_ =	shalt  }
0x45: {  	_ =	shalt  }
0x46: {  	_ =	shalt  }
0x47: {  	_ =	shalt  }
0x48: {  	_ =	shalt  }
0x49: {  	_ =	shalt  }
0x4a: {  	_ =	shalt  }
0x4b: {  	_ =	shalt  }
0x4c: {  	_ =	shalt  }
0x4d: {  	_ =	shalt  }
0x4e: {  	_ =	shalt  }
0x4f: {  	_ =	shalt  }
0x50: {  	_ =	shalt  }
0x51: {  	_ =	shalt  }
0x52: {  	_ =	shalt  }
0x53: {  	_ =	shalt  }
0x54: {  	_ =	shalt  }
0x55: {  	_ =	shalt  }
0x56: {  	_ =	shalt  }
0x57: {  	_ =	shalt  }
0x58: {  	_ =	shalt  }
0x59: {  	_ =	shalt  }
0x5a: {  	_ =	shalt  }
0x5b: {  	_ =	shalt  }
0x5c: {  	_ =	shalt  }
0x5d: {  	_ =	shalt  }
0x5e: {  	_ =	shalt  }
0x5f: {  	_ =	shalt  }
0x60: {  	_ =	shalt  }
0x61: {  	_ =	shalt  }
0x62: {  	_ =	shalt  }
0x63: {  	_ =	shalt  }
0x64: {  	_ =	shalt  }
0x65: {  	_ =	shalt  }
0x66: {  	_ =	shalt  }
0x67: {  	_ =	shalt  }
0x68: {  	_ =	shalt  }
0x69: {  	_ =	shalt  }
0x6a: {  	_ =	shalt  }
0x6b: {  	_ =	shalt  }
0x6c: {  	_ =	shalt  }
0x6d: {  	_ =	shalt  }
0x6e: {  	_ =	shalt  }
0x6f: {  	_ =	shalt  }
0x70: {  	_ =	shalt  }
0x71: {  	_ =	shalt  }
0x72: {  	_ =	shalt  }
0x73: {  	_ =	shalt  }
0x74: {  	_ =	shalt  }
0x75: {  	_ =	shalt  }
0x76: {  	_ =	shalt  }
0x77: {  	_ =	shalt  }
0x78: {  	_ =	shalt  }
0x79: {  	_ =	shalt  }
0x7a: {  	_ =	shalt  }
0x7b: {  	_ =	shalt  }
0x7c: {  	_ =	shalt  }
0x7d: {  	_ =	shalt  }
0x7e: {  	_ =	shalt  }
0x7f: {  	_ =	shalt  }
0x80: {  	_ =	shalt  }
0x81: {  	_ =	shalt  }
0x82: {  	_ =	shalt  }
0x83: {  	_ =	shalt  }
0x84: {  	_ =	shalt  }
0x85: {  	_ =	shalt  }
0x86: {  	_ =	shalt  }
0x87: {  	_ =	shalt  }
.Lfunc_end0:
.L_simem_size_0:
called_computation_lowered:
.L_overlay_start_0:
0x88: {  	s2 =	sld [smem:$0x3FD9]  }
0x89: {  	s3 =	sld [smem:$0x3FFE];
	_ =	sdelay $0x1  }
0x8a: {  	s1 =	srdreg.scid  }
0x8b: {  	s0 =	sand.u32 $0x1, s1  }
0x8c: {  	s17 =	sshll.u32 s0, $0xA;
	s2 =	sadd.s32 s3, s2  }
0x8d: {  	s2 =	sadd.s32 s2, s17  }
0x8e: {  	[smem:$0x3FC4] =	sst s2  }
0x8f: {  	_ = 	snop  }
0x90: {  	s2 =	sld [smem:$0x3FC9]  }
0x91: {  	s18 =	sld [smem:$0x3FD0];
	(tm) =	ssettm $0x1  }
0x92: {  	s4 =	sld [smem:$0x3FFB];
	_ =	sdelay $0x3  }
0x93: {  	_ =	strace s4  }
0x94: {  	s4 =	sld [smem:$0x3FFC];
	_ =	sdelay $0x3  }
0x95: {  	_ =	strace s4  }
0x96: {  	s4 =	sld [smem:$0x3FFD];
	_ =	sdelay $0x3  }
0x97: {  	_ =	strace s4  }
0x98: {  	_ =	strace $0x8FFFFFFF  }
0x99: {  	s19 =	sld [smem:$0x3FDB];
	_ =	sdelay $0x1  }
0x9a: {  	s5 =	simm.s32 $_scs_section_size  }
0x9b: {  	s6 =	simm.s32 $_size__tile_overlayer_lowered;
	s7 =	simm.s32 $_tile_overlayer_lowered  }
0x9c: {  	s22 =	simm.s32 $0x1BFF;
	s21 =	sshll.u32 s7, $0x1;
	s4 =	sadd.s32 s5, s19  }
0x9d: {  	s8 =	simm.s32 $0x0;
	s20 =	sshll.u32 s6, $0x1;
	s6 =	sadd.s32 s21, s4  }
0x9e: {  	[timem:s8], [sflag:s22] =	dma.local [hbm:s6], s20  }
0x9f: {  	_ =	swait.ge [sflag:s22], s20  }
0xa0: {  	s5 =	ssub.s32 $0x0, s20;
	[sflag:s22] =	ssyncset.done $0x0  }
0xa1: {  	[sflag:s22] =	ssyncadd.s32 s5;
	_ =	sdelay $0x1  }
0xa2: {  	s23 =	simm.s32 $0x1B8B  }
0xa3: {  	_ =	swait.ge [sflag:s23], $0x1  }
0xa4: {  	[sflag:s23] =	ssyncset.done $0x0  }
0xa5: {  	s25 =	simm.s32 $0x1B8E;
	s24 =	sld [smem:$0x3FFE];
	[sflag:s23] =	ssyncadd.s32 $0xFFFFFFFF  }
0xa6: {  	s26 =	simm.s32 $execute0_lowered;
	[smem:$0x3FD2] =	sst s25  }
0xa7: {  	s6 =	sshll.u32 s26, $0x1;
	_ =	strace $0x80000046;
	[dreg:$0x1] =	wrdreg $0xFFFFFFFF  }
0xa8: {  	s28 =	simm.s32 $_size_execute0_lowered;
	s4 =	sadd.s32 s4, s6;
	[dreg:$0x0] =	wrdreg $0x0  }
0xa9: {  	s6 =	sshll.u32 s28, $0x1;
	[dreg:$0x2] =	wrdreg s4  }
0xaa: {  	[dreg:$0x3] =	wrdreg s6  }
0xab: {  	[dreg:$0x4] =	wrdreg $0xC0  }
0xac: {  	_ =	task [dreg:s8], $0x5FFFF  }
0xad: {  	[dreg:$0x1] =	wrdreg $0xFFFFFFFF  }
0xae: {  	[dreg:$0x0] =	wrdreg $0x60  }
0xaf: {  	[dreg:$0x2] =	wrdreg s2  }
0xb0: {  	[dreg:$0x3] =	wrdreg s24  }
0xb1: {  	[dreg:$0x4] =	wrdreg s18  }
0xb2: {  	[dreg:$0x5] =	wrdreg $0x9  }
0xb3: {  	_ =	task.clear_ibuf [dreg:s8], $0x6FFFF;
	_ =	strace $0x90000046  }
0xb4: {  	s29 =	simm.s32 $0x9;
	_ =	strace $0x80000048  }
0xb5: {  	_ =	swait.ge [sflag:s29], $0x1  }
0xb6: {  	[sflag:s29] =	ssyncadd.s32 $0xFFFFFFFF  }
0xb7: {  	_ =	strace $0x90000048  }
0xb8: {  	_ =	sfence  }
0xb9: {  	s30 =	sld [smem:$0x0];
	_ =	sdelay $0x2  }
0xba: {  	s31 =	sshll.u32 s1, $0xD;
	s1 =	sshrl.u32 s1, $0x2  }
0xbb: {  	s3 =	sand.u32 $0x4000, s31;
	s1 =	sadd.s32 s1, s30  }
0xbc: {  	s0 =	sor.u32 s3, s0;
	s1 =	sshll.u32 s1, $0x11  }
0xbd: {  	s0 =	sor.u32 s1, s0  }
0xbe: {  	s0 =	sadd.s32 $0x8F2B, s0  }
0xbf: {  	[sflag:s0] =	ssyncadd.remote.s32 $0x1  }
0xc0: {  	_ =	sfence.sel $0xFFFF  }
0xc1: {  	[dreg:$0x0] =	wrdreg $0xFFFFFFFF;
	(pc) =	sbr.abs _section_cstart, $3  }
0xc2: {  	[dreg:$0x1] =	wrdreg $0xFFFFFFFF  }
0xc3: {  	_ =	task.clear_ibuf [dreg:s8], $0x2FFFF;
	_ =	strace $0x9FFFFFFF  }
0xc4: {  	(tm) =	ssettm $0x7FFFFFFF  }
0xc5: {  	_ =	shalt  }
tec
execute0_lowered:
.L_overlay_start_1:
0x0: {  	(tag) =	ssettag $0x1  }
0x1: {  	s4 =	srdreg.scid;
	s9 =	stileid.u32  }
0x2: {  	s0 =	rddreg [dreg:$0x0];
	s6 =	sand.u32 $0x1, s4;
	s24 =	sshll.u32 s9, $0x1  }
0x3: {  	s1 =	rddreg [dreg:$0x1];
	s7 =	sor.u32 s6, s24  }
0x4: {  	s2 =	rddreg [dreg:$0x2];
	s3 =	simm.s32 $0x0;
	s5 =	sshll.u32 s7, $0x7  }
0x5: {  	[smem:$0x7FF] =	sst s3;
	s5 =	sadd.s32 s0, s5  }
0x6: {  	_ =	strace $0x80000047;
	s8 =	ssub.s32 $0x2, s6;
	s28 =	sadd.s32 $0x1000, s5  }
0x7: {  	s25 =	sshrl.u32 s8, $0x1;
	s29 =	sadd.s32 $0x2000, s5;
	[dreg:$0x4] =	wrdreg s28  }
0x8: {  	s26 =	ssub.s32 s8, s25;
	s8 =	sadd.s32 $0x3000, s5;
	[dreg:$0x5] =	wrdreg s29  }
0x9: {  	s10 =	sadd.s32 $0x4000, s5;
	[dreg:$0x6] =	wrdreg s8  }
0xa: {  	s11 =	sadd.s32 $0x5000, s5;
	[dreg:$0x7] =	wrdreg s10  }
0xb: {  	s12 =	sadd.s32 $0x6000, s5;
	[dreg:$0x8] =	wrdreg s11  }
0xc: {  	s13 =	sadd.s32 $0x7000, s5;
	[dreg:$0x9] =	wrdreg s12  }
0xd: {  	s4 =	sadd.s32 $0xF42C00, s1;
	s14 =	sadd.s32 $0x8000, s5;
	[dreg:$0xa] =	wrdreg s13  }
0xe: {  	s19 =	sshll.u32 s9, $0xE;
	s15 =	sadd.s32 $0x9000, s5;
	[dreg:$0xb] =	wrdreg s14  }
0xf: {  	s6 =	sshll.u32 s6, $0xD;
	s16 =	sadd.s32 $0xA000, s5;
	[dreg:$0xc] =	wrdreg s15  }
0x10: {  	s1 =	sor.u32 s6, s19;
	s17 =	sadd.s32 $0xB000, s5;
	[dreg:$0xd] =	wrdreg s16  }
0x11: {  	s24 =	sor.u32 $0xC0000, s1;
	s18 =	sadd.s32 $0xC000, s5;
	[dreg:$0xe] =	wrdreg s17  }
0x12: {  	s25 =	sshll.u32 s7, $0xA;
	s20 =	sadd.s32 $0xD000, s5;
	[dreg:$0xf] =	wrdreg s18  }
0x13: {  	s21 =	sadd.s32 $0xE000, s5;
	s22 =	sadd.s32 $0xF000, s5;
	[dreg:$0x10] =	wrdreg s20  }
0x14: {  	s23 =	sadd.s32 $0x10000, s5;
	s0 =	smax.u32 s26, $0x1;
	[dreg:$0x11] =	wrdreg s21  }
0x15: {  	s6 =	sshrl.u32 s24, $0x3;
	s24 =	sor.u32 $0x80000, s1;
	[dreg:$0x12] =	wrdreg s22  }
0x16: {  	s26 =	sadd.s32 $0x11000, s5;
	s30 =	sadd.s32 $0x14000, s5;
	[dreg:$0x13] =	wrdreg s23  }
0x17: {  	s31 =	sadd.s32 $0x15000, s5;
	s1 =	sadd.s32 $0x17000, s5;
	[dreg:$0x14] =	wrdreg s0  }
0x18: {  	s23 =	sadd.s32 s2, s25;
	s22 =	sadd.s32 s6, s2;
	[dreg:$0x15] =	wrdreg s26  }
0x19: {  	s28 =	sadd.s32 $0x12000, s5;
	s29 =	sadd.s32 $0x13000, s5;
	s0 =	sadd.s32 $0x16000, s5  }
0x1a: {  	s6 =	sadd.s32 $0x18000, s5;
	s10 =	simm.s32 $0x5;
	s11 =	simm.s32 $0x80  }
0x1b: {  	s12 =	simm.s32 $0x6400;
	s13 =	simm.s32 $0x1;
	s14 =	simm.s32 $0x8400  }
0x1c: {  	s15 =	simm.s32 $0x2;
	s16 =	simm.s32 $0x3;
	[dreg:$0x16] =	wrdreg s28  }
0x1d: {  	s17 =	simm.s32 $0x4;
	s18 =	simm.s32 $0x0;
	[dreg:$0x17] =	wrdreg s29  }
0x1e: {  	s7 =	sadd.s32 $0x8000, s23;
	s8 =	sadd.s32 $0x630000, s23;
	s9 =	sadd.s32 $0x638000, s23  }
.LBB2_1:
0x1f: {  	[tilespmem:s3], [sflag:$0x5] =	stream.linear.gather [hbm4b:s5+s3], $0x400, $0x38;
	[tilespmem:$0xA400] =	vst v63  }
0x20: {  	_ =	swait.ge [sflag:s10], $0x400  }
0x21: {  	[sflag:s10] =	ssyncset.done $0x0  }
0x22: {  	s20 =	simm.s32 $0x400;
	s19 =	rddreg [dreg:$0x4];
	[sflag:s10] =	ssyncadd.s32 $0xFFFFFC00  }
0x23: {  	[tilespmem:s20], [sflag:$0x5] =	stream.linear.gather [hbm4b:s19+s3], $0x400, $0x38;
	[tilespmem:$0xA400] =	vst v63  }
0x24: {  	_ =	swait.ge [sflag:s10], $0x400  }
0x25: {  	[sflag:s10] =	ssyncset.done $0x0  }
0x26: {  	s19 =	simm.s32 $0x800;
	s28 =	rddreg [dreg:$0x5];
	[sflag:s10] =	ssyncadd.s32 $0xFFFFFC00  }
0x27: {  	[tilespmem:s19], [sflag:$0x5] =	stream.linear.gather [hbm4b:s28+s3], $0x400, $0x38;
	[tilespmem:$0xA400] =	vst v63  }
0x28: {  	_ =	swait.ge [sflag:s10], $0x400  }
0x29: {  	[sflag:s10] =	ssyncset.done $0x0  }
0x2a: {  	s21 =	simm.s32 $0xC00;
	s29 =	rddreg [dreg:$0x6];
	[sflag:s10] =	ssyncadd.s32 $0xFFFFFC00  }
0x2b: {  	[tilespmem:s21], [sflag:$0x5] =	stream.linear.gather [hbm4b:s29+s3], $0x400, $0x38;
	[tilespmem:$0xA400] =	vst v63  }
0x2c: {  	_ =	swait.ge [sflag:s10], $0x400  }
0x2d: {  	[sflag:s10] =	ssyncset.done $0x0  }
0x2e: {  	s26 =	simm.s32 $0x1000;
	s25 =	rddreg [dreg:$0x7];
	[sflag:s10] =	ssyncadd.s32 $0xFFFFFC00  }
0x2f: {  	[tilespmem:s26], [sflag:$0x5] =	stream.linear.gather [hbm4b:s25+s3], $0x400, $0x38;
	[tilespmem:$0xA400] =	vst v63  }
0x30: {  	_ =	swait.ge [sflag:s10], $0x400  }
0x31: {  	[sflag:s10] =	ssyncset.done $0x0  }
0x32: {  	s29 =	simm.s32 $0x1400;
	s28 =	rddreg [dreg:$0x8];
	[sflag:s10] =	ssyncadd.s32 $0xFFFFFC00  }
0x33: {  	[tilespmem:s29], [sflag:$0x5] =	stream.linear.gather [hbm4b:s28+s3], $0x400, $0x38;
	[tilespmem:$0xA400] =	vst v63  }
0x34: {  	_ =	swait.ge [sflag:s10], $0x400  }
0x35: {  	[sflag:s10] =	ssyncset.done $0x0  }
0x36: {  	s26 =	simm.s32 $0x1800;
	s25 =	rddreg [dreg:$0x9];
	[sflag:s10] =	ssyncadd.s32 $0xFFFFFC00  }
0x37: {  	[tilespmem:s26], [sflag:$0x5] =	stream.linear.gather [hbm4b:s25+s3], $0x400, $0x38;
	[tilespmem:$0xA400] =	vst v63  }
0x38: {  	_ =	swait.ge [sflag:s10], $0x400  }
0x39: {  	[sflag:s10] =	ssyncset.done $0x0  }
0x3a: {  	s29 =	simm.s32 $0x1C00;
	s28 =	rddreg [dreg:$0xa];
	[sflag:s10] =	ssyncadd.s32 $0xFFFFFC00  }
0x3b: {  	[tilespmem:s29], [sflag:$0x5] =	stream.linear.gather [hbm4b:s28+s3], $0x400, $0x38;
	[tilespmem:$0xA400] =	vst v63  }
0x3c: {  	_ =	swait.ge [sflag:s10], $0x400  }
0x3d: {  	[sflag:s10] =	ssyncset.done $0x0  }
0x3e: {  	s26 =	simm.s32 $0x2000;
	s25 =	rddreg [dreg:$0xb];
	[sflag:s10] =	ssyncadd.s32 $0xFFFFFC00  }
0x3f: {  	[tilespmem:s26], [sflag:$0x5] =	stream.linear.gather [hbm4b:s25+s3], $0x400, $0x38;
	[tilespmem:$0xA400] =	vst v63  }
0x40: {  	_ =	swait.ge [sflag:s10], $0x400  }
0x41: {  	[sflag:s10] =	ssyncset.done $0x0  }
0x42: {  	s29 =	simm.s32 $0x2400;
	s28 =	rddreg [dreg:$0xc];
	[sflag:s10] =	ssyncadd.s32 $0xFFFFFC00  }
0x43: {  	[tilespmem:s29], [sflag:$0x5] =	stream.linear.gather [hbm4b:s28+s3], $0x400, $0x38;
	[tilespmem:$0xA400] =	vst v63  }
0x44: {  	_ =	swait.ge [sflag:s10], $0x400  }
0x45: {  	[sflag:s10] =	ssyncset.done $0x0  }
0x46: {  	s26 =	simm.s32 $0x2800;
	s25 =	rddreg [dreg:$0xd];
	[sflag:s10] =	ssyncadd.s32 $0xFFFFFC00  }
0x47: {  	[tilespmem:s26], [sflag:$0x5] =	stream.linear.gather [hbm4b:s25+s3], $0x400, $0x38;
	[tilespmem:$0xA400] =	vst v63  }
0x48: {  	_ =	swait.ge [sflag:s10], $0x400  }
0x49: {  	[sflag:s10] =	ssyncset.done $0x0  }
0x4a: {  	s29 =	simm.s32 $0x2C00;
	s28 =	rddreg [dreg:$0xe];
	[sflag:s10] =	ssyncadd.s32 $0xFFFFFC00  }
0x4b: {  	[tilespmem:s29], [sflag:$0x5] =	stream.linear.gather [hbm4b:s28+s3], $0x400, $0x38;
	[tilespmem:$0xA400] =	vst v63  }
0x4c: {  	_ =	swait.ge [sflag:s10], $0x400  }
0x4d: {  	[sflag:s10] =	ssyncset.done $0x0  }
0x4e: {  	s26 =	simm.s32 $0x3000;
	s25 =	rddreg [dreg:$0xf];
	[sflag:s10] =	ssyncadd.s32 $0xFFFFFC00  }
0x4f: {  	[tilespmem:s26], [sflag:$0x5] =	stream.linear.gather [hbm4b:s25+s3], $0x400, $0x38;
	[tilespmem:$0xA400] =	vst v63  }
0x50: {  	_ =	swait.ge [sflag:s10], $0x400  }
0x51: {  	[sflag:s10] =	ssyncset.done $0x0  }
0x52: {  	s29 =	simm.s32 $0x3400;
	s28 =	rddreg [dreg:$0x10];
	[sflag:s10] =	ssyncadd.s32 $0xFFFFFC00  }
0x53: {  	[tilespmem:s29], [sflag:$0x5] =	stream.linear.gather [hbm4b:s28+s3], $0x400, $0x38;
	[tilespmem:$0xA400] =	vst v63  }
0x54: {  	_ =	swait.ge [sflag:s10], $0x400  }
0x55: {  	[sflag:s10] =	ssyncset.done $0x0  }
0x56: {  	s26 =	simm.s32 $0x3800;
	s25 =	rddreg [dreg:$0x11];
	[sflag:s10] =	ssyncadd.s32 $0xFFFFFC00  }
0x57: {  	[tilespmem:s26], [sflag:$0x5] =	stream.linear.gather [hbm4b:s25+s3], $0x400, $0x38;
	[tilespmem:$0xA400] =	vst v63  }
0x58: {  	_ =	swait.ge [sflag:s10], $0x400  }
0x59: {  	[sflag:s10] =	ssyncset.done $0x0  }
0x5a: {  	s29 =	simm.s32 $0x3C00;
	s28 =	rddreg [dreg:$0x12];
	[sflag:s10] =	ssyncadd.s32 $0xFFFFFC00  }
0x5b: {  	[tilespmem:s29], [sflag:$0x5] =	stream.linear.gather [hbm4b:s28+s3], $0x400, $0x38;
	[tilespmem:$0xA400] =	vst v63  }
0x5c: {  	_ =	swait.ge [sflag:s10], $0x400  }
0x5d: {  	[sflag:s10] =	ssyncset.done $0x0  }
0x5e: {  	s26 =	simm.s32 $0x4000;
	s25 =	rddreg [dreg:$0x13];
	[sflag:s10] =	ssyncadd.s32 $0xFFFFFC00  }
0x5f: {  	[tilespmem:s26], [sflag:$0x5] =	stream.linear.gather [hbm4b:s25+s3], $0x400, $0x38;
	[tilespmem:$0xA400] =	vst v63  }
0x60: {  	_ =	swait.ge [sflag:s10], $0x400  }
0x61: {  	[sflag:s10] =	ssyncset.done $0x0  }
0x62: {  	s29 =	simm.s32 $0x4400;
	s28 =	rddreg [dreg:$0x15];
	[sflag:s10] =	ssyncadd.s32 $0xFFFFFC00  }
0x63: {  	[tilespmem:s29], [sflag:$0x5] =	stream.linear.gather [hbm4b:s28+s3], $0x400, $0x38;
	[tilespmem:$0xA400] =	vst v63  }
0x64: {  	_ =	swait.ge [sflag:s10], $0x400  }
0x65: {  	[sflag:s10] =	ssyncset.done $0x0  }
0x66: {  	s26 =	simm.s32 $0x4800;
	s25 =	rddreg [dreg:$0x16];
	[sflag:s10] =	ssyncadd.s32 $0xFFFFFC00  }
0x67: {  	[tilespmem:s26], [sflag:$0x5] =	stream.linear.gather [hbm4b:s25+s3], $0x400, $0x38;
	[tilespmem:$0xA400] =	vst v63  }
0x68: {  	_ =	swait.ge [sflag:s10], $0x400  }
0x69: {  	[sflag:s10] =	ssyncset.done $0x0  }
0x6a: {  	s29 =	simm.s32 $0x4C00;
	s28 =	rddreg [dreg:$0x17];
	[sflag:s10] =	ssyncadd.s32 $0xFFFFFC00  }
0x6b: {  	[tilespmem:s29], [sflag:$0x5] =	stream.linear.gather [hbm4b:s28+s3], $0x400, $0x38;
	[tilespmem:$0xA400] =	vst v63  }
0x6c: {  	_ =	swait.ge [sflag:s10], $0x400  }
0x6d: {  	[sflag:s10] =	ssyncset.done $0x0  }
0x6e: {  	s21 =	simm.s32 $0x5000;
	[sflag:s10] =	ssyncadd.s32 $0xFFFFFC00  }
0x6f: {  	[tilespmem:s21], [sflag:$0x5] =	stream.linear.gather [hbm4b:s30+s3], $0x400, $0x38;
	[tilespmem:$0xA400] =	vst v63  }
0x70: {  	_ =	swait.ge [sflag:s10], $0x400  }
0x71: {  	[sflag:s10] =	ssyncset.done $0x0  }
0x72: {  	s25 =	simm.s32 $0x5400;
	[sflag:s10] =	ssyncadd.s32 $0xFFFFFC00  }
0x73: {  	[tilespmem:s25], [sflag:$0x5] =	stream.linear.gather [hbm4b:s31+s3], $0x400, $0x38;
	[tilespmem:$0xA400] =	vst v63  }
0x74: {  	_ =	swait.ge [sflag:s10], $0x400  }
0x75: {  	[sflag:s10] =	ssyncset.done $0x0  }
0x76: {  	s26 =	simm.s32 $0x5800;
	[sflag:s10] =	ssyncadd.s32 $0xFFFFFC00  }
0x77: {  	[tilespmem:s26], [sflag:$0x5] =	stream.linear.gather [hbm4b:s0+s3], $0x400, $0x38;
	[tilespmem:$0xA400] =	vst v63  }
0x78: {  	_ =	swait.ge [sflag:s10], $0x400  }
0x79: {  	[sflag:s10] =	ssyncset.done $0x0  }
0x7a: {  	s28 =	simm.s32 $0x5C00;
	[sflag:s10] =	ssyncadd.s32 $0xFFFFFC00  }
0x7b: {  	[tilespmem:s28], [sflag:$0x5] =	stream.linear.gather [hbm4b:s1+s3], $0x400, $0x38;
	[tilespmem:$0xA400] =	vst v63  }
0x7c: {  	_ =	swait.ge [sflag:s10], $0x400  }
0x7d: {  	[sflag:s10] =	ssyncset.done $0x0  }
0x7e: {  	s29 =	simm.s32 $0x6000;
	[sflag:s10] =	ssyncadd.s32 $0xFFFFFC00  }
0x7f: {  	[tilespmem:s29], [sflag:$0x5] =	stream.linear.gather [hbm4b:s6+s3], $0x400, $0x38;
	[tilespmem:$0xA400] =	vst v63  }
0x80: {  	_ =	swait.ge [sflag:s10], $0x400  }
0x81: {  	[sflag:s10] =	ssyncset.done $0x0  }
0x82: {  	[sflag:s10] =	ssyncadd.s32 $0xFFFFFC00  }
0x83: {  	[tilespmem:s12], [sflag:$0x1] =	stream.indirect.gather [hbm4b:s4+s11], $0x40, s3, s11, $0xb8;
	[tilespmem:$0xA400] =	vst v63  }
0x84: {  	_ =	swait.ge [sflag:s13], $0x2000  }
0x85: {  	[sflag:s13] =	ssyncset.done $0x0  }
0x86: {  	[sflag:s13] =	ssyncadd.s32 $0xFFFFE000  }
0x87: {  	[tilespmem:s14], [sflag:$0x2] =	stream.indirect.gather [hbm4b:s4+s11], $0x40, s11, s11, $0xb8;
	[tilespmem:$0xA400] =	vst v63  }
0x88: {  	_ = 	snop  }
0x89: {  	[hbm4b:s23+s3] =	stream.linear.scatter [tilespmem:s12], [sflag:$0x3], $0x2000, $0x38;
	[tilespmem:$0xA400] =	vst v63  }
0x8a: {  	_ =	swait.ge [sflag:s15], $0x2000  }
0x8b: {  	[sflag:s15] =	ssyncset.done $0x0  }
0x8c: {  	[sflag:s15] =	ssyncadd.s32 $0xFFFFE000  }
0x8d: {  	_ =	swait.ge [sflag:s16], $0x2000  }
0x8e: {  	[sflag:s16] =	ssyncset.done $0x0  }
0x8f: {  	s21 =	simm.s32 $0x100;
	[sflag:s16] =	ssyncadd.s32 $0xFFFFE000  }
0x90: {  	[tilespmem:s12], [sflag:$0x1] =	stream.indirect.gather [hbm4b:s4+s11], $0x40, s21, s11, $0xb8;
	[tilespmem:$0xA400] =	vst v63  }
0x91: {  	_ = 	snop  }
0x92: {  	[hbm4b:s7+s3] =	stream.linear.scatter [tilespmem:s14], [sflag:$0x4], $0x2000, $0x38;
	[tilespmem:$0xA400] =	vst v63  }
0x93: {  	_ =	swait.ge [sflag:s13], $0x2000  }
0x94: {  	[sflag:s13] =	ssyncset.done $0x0  }
0x95: {  	s25 =	simm.s32 $0x400;
	s26 =	simm.s32 $0x600;
	[sflag:s13] =	ssyncadd.s32 $0xFFFFE000  }
0x96: {  	s20 =	sand.u32 $0x1F000, s25;
	s21 =	sand.u32 $0xE00, s26;
	_ =	swait.ge [sflag:s17], $0x2000  }
0x97: {  	s20 =	sor.u32 s21, s20;
	[sflag:s17] =	ssyncset.done $0x0  }
0x98: {  	s28 =	sshrl.u32 s24, $0x3;
	s20 =	sshrl.u32 s20, $0x2;
	[sflag:s17] =	ssyncadd.s32 $0xFFFFE000  }
0x99: {  	[tilespmem:s14], [sflag:$0x2] =	stream.indirect.gather [hbm4b:s4+s11], $0x40, s20, s11, $0xb8;
	[tilespmem:$0xA400] =	vst v63  }
0x9a: {  	s29 =	sadd.s32 s2, s28  }
0x9b: {  	[hbm4b:s29+s3] =	stream.linear.scatter [tilespmem:s12], [sflag:$0x3], $0x2000, $0x38;
	[tilespmem:$0xA400] =	vst v63  }
0x9c: {  	_ =	swait.ge [sflag:s15], $0x2000  }
0x9d: {  	[sflag:s15] =	ssyncset.done $0x0  }
0x9e: {  	[sflag:s15] =	ssyncadd.s32 $0xFFFFE000  }
0x9f: {  	_ =	swait.ge [sflag:s16], $0x2000  }
0xa0: {  	s19 =	sand.u32 $0x3FC00, s19;
	[sflag:s16] =	ssyncset.done $0x0  }
0xa1: {  	s19 =	sshrl.u32 s19, $0x2;
	s25 =	smov.u32 s22;
	[sflag:s16] =	ssyncadd.s32 $0xFFFFE000  }
0xa2: {  	[tilespmem:s12], [sflag:$0x1] =	stream.indirect.gather [hbm4b:s4+s11], $0x40, s19, s11, $0xb8;
	[tilespmem:$0xA400] =	vst v63  }
0xa3: {  	s21 =	sadd.s32 $0x10000, s22;
	s20 =	sadd.s32 $0x80000, s24;
	s19 =	simm.s32 $0xC00  }
.LBB2_2:
0xa4: {  	[hbm4b:s25+s3] =	stream.linear.scatter [tilespmem:s14], [sflag:$0x4], $0x2000, $0x38;
	[tilespmem:$0xA400] =	vst v63  }
0xa5: {  	s26 =	smov.u32 s19;
	s25 =	smov.u32 s21  }
0xa6: {  	p0 =	sne.s32 s19, $0x18C00;
	s19 =	sadd.s32 $0x400, s19;
	_ =	swait.ge [sflag:s13], $0x2000  }
0xa7: {  	[sflag:s13] =	ssyncset.done $0x0  }
0xa8: {  	s28 =	sadd.s32 $0xFFFFFC00, s26;
	s29 =	sadd.s32 $0xFFFFFE00, s26;
	[sflag:s13] =	ssyncadd.s32 $0xFFFFE000  }
0xa9: {  	s28 =	sand.u32 $0x1F000, s28;
	s29 =	sand.u32 $0xE00, s29;
	_ =	swait.ge [sflag:s17], $0x2000  }
0xaa: {  	s28 =	sor.u32 s29, s28;
	[sflag:s17] =	ssyncset.done $0x0  }
0xab: {  	s29 =	sshrl.u32 s20, $0x3;
	s28 =	sshrl.u32 s28, $0x2;
	[sflag:s17] =	ssyncadd.s32 $0xFFFFE000  }
0xac: {  	[tilespmem:s14], [sflag:$0x2] =	stream.indirect.gather [hbm4b:s4+s11], $0x40, s28, s11, $0xb8;
	[tilespmem:$0xA400] =	vst v63  }
0xad: {  	s28 =	sadd.s32 s2, s29  }
0xae: {  	[hbm4b:s28+s3] =	stream.linear.scatter [tilespmem:s12], [sflag:$0x3], $0x2000, $0x38;
	[tilespmem:$0xA400] =	vst v63  }
0xaf: {  	_ =	swait.ge [sflag:s15], $0x2000  }
0xb0: {  	[sflag:s15] =	ssyncset.done $0x0  }
0xb1: {  	[sflag:s15] =	ssyncadd.s32 $0xFFFFE000  }
.Ltmp0:
0xb2: {  	_ =	swait.ge [sflag:s16], $0x2000;
	(pc) =	sbr.rel @p0 .LBB2_2-.Ltmp0, $4  }
0xb3: {  	s26 =	sand.u32 $0x3FC00, s26;
	[sflag:s16] =	ssyncset.done $0x0  }
0xb4: {  	s26 =	sshrl.u32 s26, $0x2;
	[sflag:s16] =	ssyncadd.s32 $0xFFFFE000  }
0xb5: {  	[tilespmem:s12], [sflag:$0x1] =	stream.indirect.gather [hbm4b:s4+s11], $0x40, s26, s11, $0xb8;
	[tilespmem:$0xA400] =	vst v63  }
0xb6: {  	s21 =	sadd.s32 $0x10000, s21;
	s20 =	sadd.s32 $0x80000, s20  }
0xb7: {  	[hbm4b:s25+s3] =	stream.linear.scatter [tilespmem:s14], [sflag:$0x4], $0x2000, $0x38;
	[tilespmem:$0xA400] =	vst v63  }
0xb8: {  	_ =	swait.ge [sflag:s13], $0x2000  }
0xb9: {  	[sflag:s13] =	ssyncset.done $0x0  }
0xba: {  	[sflag:s13] =	ssyncadd.s32 $0xFFFFE000  }
0xbb: {  	_ =	swait.ge [sflag:s17], $0x2000  }
0xbc: {  	[sflag:s17] =	ssyncset.done $0x0  }
0xbd: {  	s19 =	simm.s32 $0x6380;
	[sflag:s17] =	ssyncadd.s32 $0xFFFFE000  }
0xbe: {  	[tilespmem:s14], [sflag:$0x2] =	stream.indirect.gather [hbm4b:s4+s11], $0x40, s19, s11, $0xb8;
	[tilespmem:$0xA400] =	vst v63  }
0xbf: {  	_ = 	snop  }
0xc0: {  	[hbm4b:s8+s3] =	stream.linear.scatter [tilespmem:s12], [sflag:$0x3], $0x2000, $0x38;
	[tilespmem:$0xA400] =	vst v63  }
0xc1: {  	_ =	swait.ge [sflag:s15], $0x2000  }
0xc2: {  	[sflag:s15] =	ssyncset.done $0x0  }
0xc3: {  	[sflag:s15] =	ssyncadd.s32 $0xFFFFE000  }
0xc4: {  	_ =	swait.ge [sflag:s16], $0x2000  }
0xc5: {  	[sflag:s16] =	ssyncset.done $0x0  }
0xc6: {  	[sflag:s16] =	ssyncadd.s32 $0xFFFFE000  }
0xc7: {  	[hbm4b:s9+s3] =	stream.linear.scatter [tilespmem:s14], [sflag:$0x4], $0x2000, $0x38;
	[tilespmem:$0xA400] =	vst v63  }
0xc8: {  	_ =	swait.ge [sflag:s17], $0x2000  }
0xc9: {  	s18 =	sadd.s32 $0x1, s18;
	s29 =	rddreg [dreg:$0x14]  }
0xca: {  	p0 =	sne.s32 s18, s29  }
.Ltmp1:
0xcb: {  	_ = 	snop;
	(pc) =	sbr.rel @p0 .LBB2_1-.Ltmp1, $3  }
0xcc: {  	_ =	sdelay $0x1  }
0xcd: {  	[sflag:s17] =	ssyncset.done $0x0  }
0xce: {  	[sflag:s17] =	ssyncadd.s32 $0xFFFFE000  }
0xcf: {  	_ =	sfence.sel $0x180000  }
0xd0: {  	[bflag:$0x0] =	sbarrier.arrive $0xFFFF  }
0xd1: {  	_ =	strace $0x90000047  }
0xd2: {  	s0 =	stileid.u32;
	[bflag:$0x2] =	sbarrier.arrive $0xFFFF  }
0xd3: {  	p0 =	sne.s32 s0, $0x0;
	s0 =	rddreg [dreg:$0x3]  }
0xd4: {  	s0 =	sadd.s32 @!p0 $0x100000, s0  }
0xd5: {  	[sflag:s0] =	ssyncadd.tile.s32 @!p0 $0x1;
	_ =	shalt  }
.Lfunc_end2:
_tile_overlayer_lowered:
.L_overlay_start_2:
0xd6: {  	(tag) =	ssettag $0x2  }
0xd7: {  	s0 =	rddreg [dreg:$0x0];
	s2 =	stileid.u32  }
0xd8: {  	s1 =	rddreg [dreg:$0x1];
	p0 =	sne.s32 s2, $0x0  }
0xd9: {  	s3 =	rddreg [dreg:$0x2];
	[bflag:$0x3] =	sbarrier.arrive $0xFFFF;
	s2 =	simm.s32 @!p0 $0x1C05  }
0xda: {  	[timem:s3], [sflag:s2] =	dma.local @!p0 [hbm:s0], s1  }
0xdb: {  	s0 =	simm.s32 @!p0 $0x5  }
0xdc: {  	_ =	swait.ge @!p0 [sflag:s0], s1  }
0xdd: {  	s1 =	ssub.s32 @!p0 $0x0, s1;
	[sflag:s0] =	ssyncset.done @!p0 $0x0  }
0xde: {  	[sflag:s0] =	ssyncadd.s32 @!p0 s1  }
0xdf: {  	[bflag:$0x3] =	sbarrier.arrive $0xFFFF  }
0xe0: {  	_ =	shalt  }

</sc_bundles>
